<compile_context>
chip_gen: v7x
topology: tpu7x:2x2x1
jax: 0.10.2.dev20260603
libtpu: 0.0.44.dev20260713+nightly
codegen_flags: <defaults>
</compile_context>

<pallas_src>
import functools

import jax
import jax.numpy as jnp
from jax import lax
from jax.experimental import pallas as pl
from jax.experimental.pallas import tpu as pltpu
from jax.experimental.pallas import tpu_sc as plsc

F = 128
NC, NS = 2, 16
NW = NC * NS
B = 128


def _elu(x):
    return jnp.where(x > 0, x, jnp.exp(x) - 1.0)


def _segment_sum_sc(xp, src3, dst3, zrows, n, k1):
    K0 = dst3.shape[1]
    rpt = -(-n // (NS * 8)) * 8
    nacc = NS * rpt

    mesh = plsc.VectorSubcoreMesh(core_axis_name="c", subcore_axis_name="s")

    @functools.partial(
        pl.kernel,
        out_type=jax.ShapeDtypeStruct((NC, nacc, F), jnp.float32),
        mesh=mesh,
        scratch_types=[
            pltpu.VMEM((K0, B), jnp.int32),
            pltpu.VMEM((K0, B), jnp.int32),
            pltpu.VMEM((B, F), jnp.float32),
            pltpu.VMEM_SHARED((nacc, F), jnp.float32),
            pltpu.SemaphoreType.DMA,
        ],
    )
    def seg_kernel(x_hbm, src_hbm, dst_hbm, zero_hbm, out_hbm,
                   sidx, didx, gbuf, acc, sem):
        c = lax.axis_index("c")
        s = lax.axis_index("s")
        wid = c * NS + s

        pltpu.sync_copy(zero_hbm, acc.at[pl.ds(s * rpt, rpt)])
        pltpu.sync_copy(src_hbm.at[wid], sidx)
        pltpu.sync_copy(dst_hbm.at[wid], didx)
        plsc.subcore_barrier()

        def body(j, carry):
            pltpu.async_copy(x_hbm.at[sidx.at[j]], gbuf, sem).wait()
            pltpu.sync_copy(gbuf, acc.at[didx.at[j]], add=True)
            return carry

        kk = lax.select(c == 0, K0, k1)
        lax.fori_loop(0, kk, body, 0)
        plsc.subcore_barrier()

        pltpu.sync_copy(acc.at[pl.ds(s * rpt, rpt)],
                        out_hbm.at[c, pl.ds(s * rpt, rpt)])

    return seg_kernel(xp, src3, dst3, zrows)


def _row_spec(r):
    return pl.BlockSpec((r, F), lambda i: (i, 0))


def _w_spec():
    return pl.BlockSpec((F, F), lambda i: (0, 0))


def _b_spec():
    return pl.BlockSpec((1, F), lambda i: (0, 0))


def _mlp_face(hv128, w1, b1, w2, b2, n, r):
    def body(hv_ref, w1_ref, b1_ref, w2_ref, b2_ref, out_ref):
        t = jnp.dot(hv_ref[...], w1_ref[...],
                    preferred_element_type=jnp.float32) + b1_ref[...]
        t = _elu(t)
        t = jnp.dot(t, w2_ref[...],
                    preferred_element_type=jnp.float32) + b2_ref[...]
        out_ref[...] = _elu(t)

    return pl.pallas_call(
        body,
        grid=(n // r,),
        in_specs=[_row_spec(r), _w_spec(), _b_spec(), _w_spec(), _b_spec()],
        out_specs=_row_spec(r),
        out_shape=jax.ShapeDtypeStruct((n, F), jnp.float32),
    )(hv128, w1, b1, w2, b2)


def _stage1(ff, parts, wrel, brel, wroot, w1, b1, w2, b2, w3, b3, n, r):
    def body(ff_ref, p_ref, wrel_ref, brel_ref, wroot_ref,
             w1_ref, b1_ref, w2_ref, b2_ref, w3_ref, b3_ref, out_ref):
        agg = p_ref[0] + p_ref[1]
        t = (jnp.dot(agg, wrel_ref[...], preferred_element_type=jnp.float32)
             + brel_ref[...]
             + jnp.dot(ff_ref[...], wroot_ref[...],
                       preferred_element_type=jnp.float32))
        h = _elu(t)
        h = _elu(jnp.dot(h, w1_ref[...],
                         preferred_element_type=jnp.float32) + b1_ref[...])
        h = _elu(jnp.dot(h, w2_ref[...],
                         preferred_element_type=jnp.float32) + b2_ref[...])
        h = _elu(jnp.dot(h, w3_ref[...],
                         preferred_element_type=jnp.float32) + b3_ref[...])
        out_ref[...] = h

    return pl.pallas_call(
        body,
        grid=(n // r,),
        in_specs=[_row_spec(r),
                  pl.BlockSpec((NC, r, F), lambda i: (0, i, 0)),
                  _w_spec(), _b_spec(), _w_spec(),
                  _w_spec(), _b_spec(), _w_spec(), _b_spec(),
                  _w_spec(), _b_spec()],
        out_specs=_row_spec(r),
        out_shape=jax.ShapeDtypeStruct((n, F), jnp.float32),
    )(ff, parts, wrel, brel, wroot, w1, b1, w2, b2, w3, b3)


def _stage2(ff, h, parts, wrel, brel, wroot,
            w1a, w1b, b1, w2, b2, w3p, b3p, n, r):
    def body(ff_ref, h_ref, p_ref, wrel_ref, brel_ref, wroot_ref,
             w1a_ref, w1b_ref, b1_ref, w2_ref, b2_ref, w3_ref, b3_ref,
             out_ref):
        agg = p_ref[0] + p_ref[1]
        s1_out = (jnp.dot(agg, wrel_ref[...],
                          preferred_element_type=jnp.float32)
                  + brel_ref[...]
                  + jnp.dot(h_ref[...], wroot_ref[...],
                            preferred_element_type=jnp.float32))
        o = _elu(jnp.dot(ff_ref[...], w1a_ref[...],
                         preferred_element_type=jnp.float32)
                 + jnp.dot(s1_out, w1b_ref[...],
                           preferred_element_type=jnp.float32)
                 + b1_ref[...])
        o = _elu(jnp.dot(o, w2_ref[...],
                         preferred_element_type=jnp.float32) + b2_ref[...])
        o = jnp.dot(o, w3_ref[...],
                    preferred_element_type=jnp.float32) + b3_ref[...]
        out_ref[...] = o

    return pl.pallas_call(
        body,
        grid=(n // r,),
        in_specs=[_row_spec(r), _row_spec(r),
                  pl.BlockSpec((NC, r, F), lambda i: (0, i, 0)),
                  _w_spec(), _b_spec(), _w_spec(),
                  _w_spec(), _w_spec(), _b_spec(),
                  _w_spec(), _b_spec(), _w_spec(), _b_spec()],
        out_specs=_row_spec(r),
        out_shape=jax.ShapeDtypeStruct((n, F), jnp.float32),
    )(ff, h, parts, wrel, brel, wroot, w1a, w1b, b1, w2, b2, w3p, b3p)


def kernel(hv, adj, mlp_W1, mlp_b1, mlp_W2, mlp_b2,
           g1_Wrel, g1_brel, g1_Wroot,
           s1_W1, s1_b1, s1_W2, s1_b2, s1_W3, s1_b3,
           g2_Wrel, g2_brel, g2_Wroot,
           s2_W1, s2_b1, s2_W2, s2_b2, s2_W3, s2_b3):
    n = hv.shape[0]
    e = adj.shape[1]
    r = 2000

    ktot = 2 * (-(-e // (NW * B)))
    k0 = -(-ktot * 65 // 100)
    k1 = ktot - k0
    cap = NS * ktot * B
    src_f = jnp.concatenate([adj[0], jnp.full((cap - e,), n, jnp.int32)])
    dst_f = jnp.concatenate([adj[1], jnp.zeros((cap - e,), jnp.int32)])
    c0e = NS * k0 * B
    src_p = jnp.concatenate([
        src_f[:c0e].reshape(NS, k0, B),
        jnp.concatenate([src_f[c0e:].reshape(NS, k1, B),
                         jnp.full((NS, k0 - k1, B), n, jnp.int32)],
                        axis=1)])
    dst_p = jnp.concatenate([
        dst_f[:c0e].reshape(NS, k0, B),
        jnp.concatenate([dst_f[c0e:].reshape(NS, k1, B),
                         jnp.zeros((NS, k0 - k1, B), jnp.int32)],
                        axis=1)])
    zrows = jnp.zeros((-(-n // (NS * 8)) * 8, F), jnp.float32)

    hv128 = jnp.pad(hv, ((0, 0), (0, F - hv.shape[1])))
    w1p = jnp.pad(mlp_W1, ((0, F - mlp_W1.shape[0]), (0, 0)))
    w3p = jnp.pad(s2_W3, ((0, 0), (0, F - s2_W3.shape[1])))
    b3p = jnp.pad(s2_b3, ((0, F - s2_b3.shape[0]),)).reshape(1, F)
    s2_W1a, s2_W1b = s2_W1[:F], s2_W1[F:]
    _r1 = lambda v: v.reshape(1, F)

    ff = _mlp_face(hv128, w1p, _r1(mlp_b1), mlp_W2, _r1(mlp_b2), n, r)

    ffp = jnp.pad(ff, ((0, NS), (0, 0)))
    parts1 = _segment_sum_sc(ffp, src_p, dst_p, zrows, n, k1)

    h = _stage1(ff, parts1, g1_Wrel, _r1(g1_brel), g1_Wroot,
                s1_W1, _r1(s1_b1), s1_W2, _r1(s1_b2), s1_W3, _r1(s1_b3),
                n, r)

    hp = jnp.pad(h, ((0, NS), (0, 0)))
    parts2 = _segment_sum_sc(hp, src_p, dst_p, zrows, n, k1)

    o = _stage2(ff, h, parts2, g2_Wrel, _r1(g2_brel), g2_Wroot,
                s2_W1a, s2_W1b, _r1(s2_b1), s2_W2, _r1(s2_b2), w3p, b3p,
                n, r)
    return o[:, :s2_W3.shape[1]]

# --- scband reference (transcript-rebuilt; emitter-appended) ---
"""Pipeline reference for scband-face-model-88587995447602 (READ-ONLY COPY).

The authoritative reference and input builder live on the scoring server;
editing this copy changes nothing except your own understanding.
"""

import jax, jax.numpy as jnp
import numpy as np


def _w(k, fan_in, shape):
    return jax.random.normal(k, shape, dtype=jnp.float32) / np.sqrt(fan_in)


def setup_inputs(seed: int = 0):
    key = jax.random.key(seed)
    ks = jax.random.split(key, 24)
    N, E, F = 10000, 320000, 128
    return {
        'hv': jax.random.normal(ks[0], (N, 7), dtype=jnp.float32),
        'adj': jax.random.randint(ks[1], (2, E), 0, N, dtype=jnp.int32),
        'mlp_W1': _w(ks[2], 7, (7, F)), 'mlp_b1': jnp.zeros((F,), jnp.float32),
        'mlp_W2': _w(ks[3], F, (F, F)), 'mlp_b2': jnp.zeros((F,), jnp.float32),
        'g1_Wrel': _w(ks[4], F, (F, F)), 'g1_brel': jnp.zeros((F,), jnp.float32),
        'g1_Wroot': _w(ks[5], F, (F, F)),
        's1_W1': _w(ks[6], F, (F, F)), 's1_b1': jnp.zeros((F,), jnp.float32),
        's1_W2': _w(ks[7], F, (F, F)), 's1_b2': jnp.zeros((F,), jnp.float32),
        's1_W3': _w(ks[8], F, (F, F)), 's1_b3': jnp.zeros((F,), jnp.float32),
        'g2_Wrel': _w(ks[9], F, (F, F)), 'g2_brel': jnp.zeros((F,), jnp.float32),
        'g2_Wroot': _w(ks[10], F, (F, F)),
        's2_W1': _w(ks[11], 2 * F, (2 * F, F)), 's2_b1': jnp.zeros((F,), jnp.float32),
        's2_W2': _w(ks[12], F, (F, F)), 's2_b2': jnp.zeros((F,), jnp.float32),
        's2_W3': _w(ks[13], F, (F, 2)), 's2_b3': jnp.zeros((2,), jnp.float32),
    }


def reference(hv, adj, mlp_W1, mlp_b1, mlp_W2, mlp_b2,
              g1_Wrel, g1_brel, g1_Wroot,
              s1_W1, s1_b1, s1_W2, s1_b2, s1_W3, s1_b3,
              g2_Wrel, g2_brel, g2_Wroot,
              s2_W1, s2_b1, s2_W2, s2_b2, s2_W3, s2_b3):
    elu = jax.nn.elu
    N = hv.shape[0]
    src, dst = adj[0], adj[1]
    # mlp_face: Linear(7,F) + ELU + Linear(F,F) + ELU
    ff = elu(elu(hv @ mlp_W1 + mlp_b1) @ mlp_W2 + mlp_b2)
    # gnn1 = GraphConv(F,F): lin_rel(sum_{j->i} x_j) + lin_root(x_i)
    agg1 = jax.ops.segment_sum(ff[src], dst, num_segments=N)
    s1_in = agg1 @ g1_Wrel + g1_brel + ff @ g1_Wroot
    # stage1: ELU, Linear, ELU, Linear, ELU, Linear, ELU
    h = elu(s1_in)
    h = elu(h @ s1_W1 + s1_b1)
    h = elu(h @ s1_W2 + s1_b2)
    h = elu(h @ s1_W3 + s1_b3)
    # gnn2 = GraphConv(F,F)
    agg2 = jax.ops.segment_sum(h[src], dst, num_segments=N)
    s1_out = agg2 @ g2_Wrel + g2_brel + h @ g2_Wroot
    cat = jnp.concatenate([ff, s1_out], axis=-1)
    # stage2: Linear(2F,F) + ELU + Linear(F,F) + ELU + Linear(F,2)
    o = elu(cat @ s2_W1 + s2_b1)
    o = elu(o @ s2_W2 + s2_b2)
    o = o @ s2_W3 + s2_b3
    # .transpose(-1, 1) on a 2D tensor swaps dim 1 with dim 1 (identity)
    return jnp.swapaxes(o, 1, -1)

if __name__ == "__main__":
    import jax
    _d = setup_inputs()
    print(jax.jit(kernel)(*tuple(_d.values())))

</pallas_src>

<mosaic_0001>
#map = affine_map<(d0, d1) -> (0, 0)>
#map1 = affine_map<(d0, d1) -> (0, 0, 0)>
module attributes {stable_mosaic.version = 14 : i64} {
  func.func @seg_kernel(%arg0: i32, %arg1: i32, %arg2: memref<10016x128xf32, #tpu.memory_space<hbm>>, %arg3: memref<32x103x128xi32, #tpu.memory_space<hbm>>, %arg4: memref<32x103x128xi32, #tpu.memory_space<hbm>>, %arg5: memref<632x128xf32, #tpu.memory_space<hbm>>, %arg6: memref<2x10112x128xf32, #tpu.memory_space<hbm>>, %arg7: memref<103x128xi32, #tpu.memory_space<vmem>>, %arg8: memref<103x128xi32, #tpu.memory_space<vmem>>, %arg9: memref<128x128xf32, #tpu.memory_space<vmem>>, %arg10: memref<10112x128xf32, #tpu.memory_space<vmem_shared>>, %arg11: memref<!tpu.dma_semaphore, #tpu.memory_space<semaphore_mem>>) attributes {dimension_semantics = [#tpu.dimension_semantics<core_parallel>, #tpu.dimension_semantics<subcore_parallel>], iteration_bounds = array<i64: 2, 16>, scalar_prefetch = 0 : i64, scratch_operands = 5 : i64, tpu.core_type = #tpu.core_type<sc_vector_subcore>, window_params = [{transform_indices = #map}, {transform_indices = #map1}, {transform_indices = #map1}, {transform_indices = #map}, {transform_indices = #map1}]} {
    %mul3A = arith.constant 16 : i32
    %mul3A_0 = arith.muli %arg0, %mul3A : i32
    %add3A = arith.addi %mul3A_0, %arg1 : i32
    %mul3A_1 = arith.constant 632 : i32
    %mul3A_2 = arith.muli %arg1, %mul3A_1 : i32
    "tpu.region"() ({
      %run_scoped3A = tpu.sem_alloc : memref<!tpu.dma_semaphore, #tpu.memory_space<semaphore_mem>>
      %dma_start3A = arith.constant 0 : i32
      %dma_start3A_20 = tpu.memref_slice %arg10[%mul3A_2, %dma_start3A] : memref<10112x128xf32, #tpu.memory_space<vmem_shared>> -> memref<632x128xf32, #tpu.memory_space<vmem_shared>>
      tpu.enqueue_dma source(%arg5 : memref<632x128xf32, #tpu.memory_space<hbm>>) target(%dma_start3A_20 : memref<632x128xf32, #tpu.memory_space<vmem_shared>>) target_semaphore(%run_scoped3A : memref<!tpu.dma_semaphore, #tpu.memory_space<semaphore_mem>>)
      %dma_wait3A = arith.constant 0 : i32
      %dma_wait3A_21 = tpu.memref_slice %arg10[%mul3A_2, %dma_wait3A] : memref<10112x128xf32, #tpu.memory_space<vmem_shared>> -> memref<632x128xf32, #tpu.memory_space<vmem_shared>>
      tpu.wait_dma2 semaphore(%run_scoped3A : memref<!tpu.dma_semaphore, #tpu.memory_space<semaphore_mem>>) src(%arg5 : memref<632x128xf32, #tpu.memory_space<hbm>>) dst(%dma_wait3A_21 : memref<632x128xf32, #tpu.memory_space<vmem_shared>>)
      tpu.yield
    }) : () -> ()
    "tpu.region"() ({
      %run_scoped3A = tpu.sem_alloc : memref<!tpu.dma_semaphore, #tpu.memory_space<semaphore_mem>>
      %dma_start3A = arith.constant 0 : i32
      %dma_start3A_20 = arith.constant 0 : i32
      %dma_start3A_21 = tpu.memref_slice %arg3[%add3A, %dma_start3A, %dma_start3A_20] : memref<32x103x128xi32, #tpu.memory_space<hbm>> -> memref<1x103x128xi32, #tpu.memory_space<hbm>>
      %dma_start3A_22 = tpu.memref_squeeze %dma_start3A_21 : memref<1x103x128xi32, #tpu.memory_space<hbm>> -> memref<103x128xi32, #tpu.memory_space<hbm>>
      %dma_start3A_23 = arith.constant 0 : i32
      %dma_start3A_24 = arith.constant 0 : i32
      %dma_start3A_25 = tpu.memref_slice %arg3[%add3A, %dma_start3A_23, %dma_start3A_24] : memref<32x103x128xi32, #tpu.memory_space<hbm>> -> memref<1x103x128xi32, #tpu.memory_space<hbm>>
      %dma_start3A_26 = tpu.memref_squeeze %dma_start3A_25 : memref<1x103x128xi32, #tpu.memory_space<hbm>> -> memref<103x128xi32, #tpu.memory_space<hbm>>
      tpu.enqueue_dma source(%dma_start3A_26 : memref<103x128xi32, #tpu.memory_space<hbm>>) target(%arg7 : memref<103x128xi32, #tpu.memory_space<vmem>>) target_semaphore(%run_scoped3A : memref<!tpu.dma_semaphore, #tpu.memory_space<semaphore_mem>>)
      %dma_wait3A = arith.constant 0 : i32
      %dma_wait3A_27 = arith.constant 0 : i32
      %dma_wait3A_28 = tpu.memref_slice %arg3[%add3A, %dma_wait3A, %dma_wait3A_27] : memref<32x103x128xi32, #tpu.memory_space<hbm>> -> memref<1x103x128xi32, #tpu.memory_space<hbm>>
      %dma_wait3A_29 = tpu.memref_squeeze %dma_wait3A_28 : memref<1x103x128xi32, #tpu.memory_space<hbm>> -> memref<103x128xi32, #tpu.memory_space<hbm>>
      %dma_wait3A_30 = arith.constant 0 : i32
      %dma_wait3A_31 = arith.constant 0 : i32
      %dma_wait3A_32 = tpu.memref_slice %arg3[%add3A, %dma_wait3A_30, %dma_wait3A_31] : memref<32x103x128xi32, #tpu.memory_space<hbm>> -> memref<1x103x128xi32, #tpu.memory_space<hbm>>
      %dma_wait3A_33 = tpu.memref_squeeze %dma_wait3A_32 : memref<1x103x128xi32, #tpu.memory_space<hbm>> -> memref<103x128xi32, #tpu.memory_space<hbm>>
      tpu.wait_dma2 semaphore(%run_scoped3A : memref<!tpu.dma_semaphore, #tpu.memory_space<semaphore_mem>>) src(%dma_wait3A_33 : memref<103x128xi32, #tpu.memory_space<hbm>>) dst(%arg7 : memref<103x128xi32, #tpu.memory_space<vmem>>)
      tpu.yield
    }) : () -> ()
    "tpu.region"() ({
      %run_scoped3A = tpu.sem_alloc : memref<!tpu.dma_semaphore, #tpu.memory_space<semaphore_mem>>
      %dma_start3A = arith.constant 0 : i32
      %dma_start3A_20 = arith.constant 0 : i32
      %dma_start3A_21 = tpu.memref_slice %arg4[%add3A, %dma_start3A, %dma_start3A_20] : memref<32x103x128xi32, #tpu.memory_space<hbm>> -> memref<1x103x128xi32, #tpu.memory_space<hbm>>
      %dma_start3A_22 = tpu.memref_squeeze %dma_start3A_21 : memref<1x103x128xi32, #tpu.memory_space<hbm>> -> memref<103x128xi32, #tpu.memory_space<hbm>>
      %dma_start3A_23 = arith.constant 0 : i32
      %dma_start3A_24 = arith.constant 0 : i32
      %dma_start3A_25 = tpu.memref_slice %arg4[%add3A, %dma_start3A_23, %dma_start3A_24] : memref<32x103x128xi32, #tpu.memory_space<hbm>> -> memref<1x103x128xi32, #tpu.memory_space<hbm>>
      %dma_start3A_26 = tpu.memref_squeeze %dma_start3A_25 : memref<1x103x128xi32, #tpu.memory_space<hbm>> -> memref<103x128xi32, #tpu.memory_space<hbm>>
      tpu.enqueue_dma source(%dma_start3A_26 : memref<103x128xi32, #tpu.memory_space<hbm>>) target(%arg8 : memref<103x128xi32, #tpu.memory_space<vmem>>) target_semaphore(%run_scoped3A : memref<!tpu.dma_semaphore, #tpu.memory_space<semaphore_mem>>)
      %dma_wait3A = arith.constant 0 : i32
      %dma_wait3A_27 = arith.constant 0 : i32
      %dma_wait3A_28 = tpu.memref_slice %arg4[%add3A, %dma_wait3A, %dma_wait3A_27] : memref<32x103x128xi32, #tpu.memory_space<hbm>> -> memref<1x103x128xi32, #tpu.memory_space<hbm>>
      %dma_wait3A_29 = tpu.memref_squeeze %dma_wait3A_28 : memref<1x103x128xi32, #tpu.memory_space<hbm>> -> memref<103x128xi32, #tpu.memory_space<hbm>>
      %dma_wait3A_30 = arith.constant 0 : i32
      %dma_wait3A_31 = arith.constant 0 : i32
      %dma_wait3A_32 = tpu.memref_slice %arg4[%add3A, %dma_wait3A_30, %dma_wait3A_31] : memref<32x103x128xi32, #tpu.memory_space<hbm>> -> memref<1x103x128xi32, #tpu.memory_space<hbm>>
      %dma_wait3A_33 = tpu.memref_squeeze %dma_wait3A_32 : memref<1x103x128xi32, #tpu.memory_space<hbm>> -> memref<103x128xi32, #tpu.memory_space<hbm>>
      tpu.wait_dma2 semaphore(%run_scoped3A : memref<!tpu.dma_semaphore, #tpu.memory_space<semaphore_mem>>) src(%dma_wait3A_33 : memref<103x128xi32, #tpu.memory_space<hbm>>) dst(%arg8 : memref<103x128xi32, #tpu.memory_space<vmem>>)
      tpu.yield
    }) : () -> ()
    %barrier3A = arith.constant 0 : index
    tpu.barrier barrier_id(%barrier3A)
    %eq3A = arith.constant 0 : i32
    %eq3A_3 = arith.cmpi eq, %arg0, %eq3A : i32
    %select_n3A = arith.constant 55 : i32
    %select_n3A_4 = arith.constant 103 : i32
    %select_n3A_5 = arith.select %eq3A_3, %select_n3A_4, %select_n3A : i32
    %while3A = arith.constant 0 : i32
    %while3A_6 = arith.constant 0 : i32
    %while3A_7 = arith.subi %select_n3A_5, %while3A_6 : i32
    %while3A_8 = arith.addi %while3A_6, %while3A_7 : i32
    %while3A_9 = arith.constant 1 : i32
    %while3A_10 = arith.divsi %while3A_7, %while3A_9 : i32
    %while3A_11 = arith.muli %while3A_10, %while3A_9 : i32
    %while3A_12 = arith.addi %while3A_6, %while3A_11 : i32
    %while3A_13 = arith.constant 1 : i32
    scf.for %while3A_20 = %while3A_6 to %while3A_12 step %while3A_13  : i32 {
      %dma_start3A = arith.constant 0 : i32
      %dma_start3A_21 = tpu.memref_slice %arg7[%while3A_20, %dma_start3A] : memref<103x128xi32, #tpu.memory_space<vmem>> -> memref<1x128xi32, #tpu.memory_space<vmem>>
      %dma_start3A_22 = tpu.memref_squeeze %dma_start3A_21 : memref<1x128xi32, #tpu.memory_space<vmem>> -> memref<128xi32, #tpu.memory_space<vmem>>
      %dma_start3A_23 = arith.constant 0 : i32
      %dma_start3A_24 = arith.constant 0 : i32
      %dma_start3A_25 = tpu.memref_slice %arg2[%dma_start3A_23, %dma_start3A_24] : memref<10016x128xf32, #tpu.memory_space<hbm>> -> memref<10016x128xf32, #tpu.memory_space<hbm>>
      tpu.enqueue_indirect_dma source(%dma_start3A_25 : memref<10016x128xf32, #tpu.memory_space<hbm>>) target(%arg9 : memref<128x128xf32, #tpu.memory_space<vmem>>) offsets(%dma_start3A_22 : memref<128xi32, #tpu.memory_space<vmem>>) semaphore(%arg11 : memref<!tpu.dma_semaphore, #tpu.memory_space<semaphore_mem>>)
      %dma_wait3A = arith.constant 0 : i32
      %dma_wait3A_26 = tpu.memref_slice %arg7[%while3A_20, %dma_wait3A] : memref<103x128xi32, #tpu.memory_space<vmem>> -> memref<1x128xi32, #tpu.memory_space<vmem>>
      %dma_wait3A_27 = tpu.memref_squeeze %dma_wait3A_26 : memref<1x128xi32, #tpu.memory_space<vmem>> -> memref<128xi32, #tpu.memory_space<vmem>>
      %dma_wait3A_28 = arith.constant 0 : i32
      %dma_wait3A_29 = arith.constant 0 : i32
      %dma_wait3A_30 = tpu.memref_slice %arg2[%dma_wait3A_28, %dma_wait3A_29] : memref<10016x128xf32, #tpu.memory_space<hbm>> -> memref<10016x128xf32, #tpu.memory_space<hbm>>
      tpu.wait_indirect_dma semaphore(%arg11 : memref<!tpu.dma_semaphore, #tpu.memory_space<semaphore_mem>>) src(%dma_wait3A_30 : memref<10016x128xf32, #tpu.memory_space<hbm>>) dst(%arg9 : memref<128x128xf32, #tpu.memory_space<vmem>>)
      "tpu.region"() ({
        %run_scoped3A = tpu.sem_alloc : memref<!tpu.dma_semaphore, #tpu.memory_space<semaphore_mem>>
        %dma_start3A_31 = arith.constant 0 : i32
        %dma_start3A_32 = tpu.memref_slice %arg8[%while3A_20, %dma_start3A_31] : memref<103x128xi32, #tpu.memory_space<vmem>> -> memref<1x128xi32, #tpu.memory_space<vmem>>
        %dma_start3A_33 = tpu.memref_squeeze %dma_start3A_32 : memref<1x128xi32, #tpu.memory_space<vmem>> -> memref<128xi32, #tpu.memory_space<vmem>>
        %dma_start3A_34 = arith.constant 0 : i32
        %dma_start3A_35 = arith.constant 0 : i32
        %dma_start3A_36 = tpu.memref_slice %arg10[%dma_start3A_34, %dma_start3A_35] : memref<10112x128xf32, #tpu.memory_space<vmem_shared>> -> memref<10112x128xf32, #tpu.memory_space<vmem_shared>>
        tpu.enqueue_indirect_dma source(%arg9 : memref<128x128xf32, #tpu.memory_space<vmem>>) target(%dma_start3A_36 : memref<10112x128xf32, #tpu.memory_space<vmem_shared>>) offsets(%dma_start3A_33 : memref<128xi32, #tpu.memory_space<vmem>>) semaphore(%run_scoped3A : memref<!tpu.dma_semaphore, #tpu.memory_space<semaphore_mem>>) {add = true}
        %dma_wait3A_37 = arith.constant 0 : i32
        %dma_wait3A_38 = tpu.memref_slice %arg8[%while3A_20, %dma_wait3A_37] : memref<103x128xi32, #tpu.memory_space<vmem>> -> memref<1x128xi32, #tpu.memory_space<vmem>>
        %dma_wait3A_39 = tpu.memref_squeeze %dma_wait3A_38 : memref<1x128xi32, #tpu.memory_space<vmem>> -> memref<128xi32, #tpu.memory_space<vmem>>
        %dma_wait3A_40 = arith.constant 0 : i32
        %dma_wait3A_41 = arith.constant 0 : i32
        %dma_wait3A_42 = tpu.memref_slice %arg10[%dma_wait3A_40, %dma_wait3A_41] : memref<10112x128xf32, #tpu.memory_space<vmem_shared>> -> memref<10112x128xf32, #tpu.memory_space<vmem_shared>>
        tpu.wait_indirect_dma semaphore(%run_scoped3A : memref<!tpu.dma_semaphore, #tpu.memory_space<semaphore_mem>>) src(%arg9 : memref<128x128xf32, #tpu.memory_space<vmem>>) dst(%dma_wait3A_42 : memref<10112x128xf32, #tpu.memory_space<vmem_shared>>)
        tpu.yield
      }) : () -> ()
    }
    %while3A_14 = arith.constant 1 : i32
    scf.for %while3A_20 = %while3A_12 to %while3A_8 step %while3A_14  : i32 {
      %dma_start3A = arith.constant 0 : i32
      %dma_start3A_21 = tpu.memref_slice %arg7[%while3A_20, %dma_start3A] : memref<103x128xi32, #tpu.memory_space<vmem>> -> memref<1x128xi32, #tpu.memory_space<vmem>>
      %dma_start3A_22 = tpu.memref_squeeze %dma_start3A_21 : memref<1x128xi32, #tpu.memory_space<vmem>> -> memref<128xi32, #tpu.memory_space<vmem>>
      %dma_start3A_23 = arith.constant 0 : i32
      %dma_start3A_24 = arith.constant 0 : i32
      %dma_start3A_25 = tpu.memref_slice %arg2[%dma_start3A_23, %dma_start3A_24] : memref<10016x128xf32, #tpu.memory_space<hbm>> -> memref<10016x128xf32, #tpu.memory_space<hbm>>
      tpu.enqueue_indirect_dma source(%dma_start3A_25 : memref<10016x128xf32, #tpu.memory_space<hbm>>) target(%arg9 : memref<128x128xf32, #tpu.memory_space<vmem>>) offsets(%dma_start3A_22 : memref<128xi32, #tpu.memory_space<vmem>>) semaphore(%arg11 : memref<!tpu.dma_semaphore, #tpu.memory_space<semaphore_mem>>)
      %dma_wait3A = arith.constant 0 : i32
      %dma_wait3A_26 = tpu.memref_slice %arg7[%while3A_20, %dma_wait3A] : memref<103x128xi32, #tpu.memory_space<vmem>> -> memref<1x128xi32, #tpu.memory_space<vmem>>
      %dma_wait3A_27 = tpu.memref_squeeze %dma_wait3A_26 : memref<1x128xi32, #tpu.memory_space<vmem>> -> memref<128xi32, #tpu.memory_space<vmem>>
      %dma_wait3A_28 = arith.constant 0 : i32
      %dma_wait3A_29 = arith.constant 0 : i32
      %dma_wait3A_30 = tpu.memref_slice %arg2[%dma_wait3A_28, %dma_wait3A_29] : memref<10016x128xf32, #tpu.memory_space<hbm>> -> memref<10016x128xf32, #tpu.memory_space<hbm>>
      tpu.wait_indirect_dma semaphore(%arg11 : memref<!tpu.dma_semaphore, #tpu.memory_space<semaphore_mem>>) src(%dma_wait3A_30 : memref<10016x128xf32, #tpu.memory_space<hbm>>) dst(%arg9 : memref<128x128xf32, #tpu.memory_space<vmem>>)
      "tpu.region"() ({
        %run_scoped3A = tpu.sem_alloc : memref<!tpu.dma_semaphore, #tpu.memory_space<semaphore_mem>>
        %dma_start3A_31 = arith.constant 0 : i32
        %dma_start3A_32 = tpu.memref_slice %arg8[%while3A_20, %dma_start3A_31] : memref<103x128xi32, #tpu.memory_space<vmem>> -> memref<1x128xi32, #tpu.memory_space<vmem>>
        %dma_start3A_33 = tpu.memref_squeeze %dma_start3A_32 : memref<1x128xi32, #tpu.memory_space<vmem>> -> memref<128xi32, #tpu.memory_space<vmem>>
        %dma_start3A_34 = arith.constant 0 : i32
        %dma_start3A_35 = arith.constant 0 : i32
        %dma_start3A_36 = tpu.memref_slice %arg10[%dma_start3A_34, %dma_start3A_35] : memref<10112x128xf32, #tpu.memory_space<vmem_shared>> -> memref<10112x128xf32, #tpu.memory_space<vmem_shared>>
        tpu.enqueue_indirect_dma source(%arg9 : memref<128x128xf32, #tpu.memory_space<vmem>>) target(%dma_start3A_36 : memref<10112x128xf32, #tpu.memory_space<vmem_shared>>) offsets(%dma_start3A_33 : memref<128xi32, #tpu.memory_space<vmem>>) semaphore(%run_scoped3A : memref<!tpu.dma_semaphore, #tpu.memory_space<semaphore_mem>>) {add = true}
        %dma_wait3A_37 = arith.constant 0 : i32
        %dma_wait3A_38 = tpu.memref_slice %arg8[%while3A_20, %dma_wait3A_37] : memref<103x128xi32, #tpu.memory_space<vmem>> -> memref<1x128xi32, #tpu.memory_space<vmem>>
        %dma_wait3A_39 = tpu.memref_squeeze %dma_wait3A_38 : memref<1x128xi32, #tpu.memory_space<vmem>> -> memref<128xi32, #tpu.memory_space<vmem>>
        %dma_wait3A_40 = arith.constant 0 : i32
        %dma_wait3A_41 = arith.constant 0 : i32
        %dma_wait3A_42 = tpu.memref_slice %arg10[%dma_wait3A_40, %dma_wait3A_41] : memref<10112x128xf32, #tpu.memory_space<vmem_shared>> -> memref<10112x128xf32, #tpu.memory_space<vmem_shared>>
        tpu.wait_indirect_dma semaphore(%run_scoped3A : memref<!tpu.dma_semaphore, #tpu.memory_space<semaphore_mem>>) src(%arg9 : memref<128x128xf32, #tpu.memory_space<vmem>>) dst(%dma_wait3A_42 : memref<10112x128xf32, #tpu.memory_space<vmem_shared>>)
        tpu.yield
      }) : () -> ()
    }
    %barrier3A_15 = arith.constant 0 : index
    tpu.barrier barrier_id(%barrier3A_15)
    %mul3A_16 = arith.constant 632 : i32
    %mul3A_17 = arith.muli %arg1, %mul3A_16 : i32
    %mul3A_18 = arith.constant 632 : i32
    %mul3A_19 = arith.muli %arg1, %mul3A_18 : i32
    "tpu.region"() ({
      %run_scoped3A = tpu.sem_alloc : memref<!tpu.dma_semaphore, #tpu.memory_space<semaphore_mem>>
      %dma_start3A = arith.constant 0 : i32
      %dma_start3A_20 = tpu.memref_slice %arg6[%arg0, %mul3A_19, %dma_start3A] : memref<2x10112x128xf32, #tpu.memory_space<hbm>> -> memref<1x632x128xf32, #tpu.memory_space<hbm>>
      %dma_start3A_21 = tpu.memref_squeeze %dma_start3A_20 : memref<1x632x128xf32, #tpu.memory_space<hbm>> -> memref<632x128xf32, #tpu.memory_space<hbm>>
      %dma_start3A_22 = arith.constant 0 : i32
      %dma_start3A_23 = tpu.memref_slice %arg10[%mul3A_17, %dma_start3A_22] : memref<10112x128xf32, #tpu.memory_space<vmem_shared>> -> memref<632x128xf32, #tpu.memory_space<vmem_shared>>
      tpu.enqueue_dma source(%dma_start3A_23 : memref<632x128xf32, #tpu.memory_space<vmem_shared>>) target(%dma_start3A_21 : memref<632x128xf32, #tpu.memory_space<hbm>>) target_semaphore(%run_scoped3A : memref<!tpu.dma_semaphore, #tpu.memory_space<semaphore_mem>>)
      %dma_wait3A = arith.constant 0 : i32
      %dma_wait3A_24 = tpu.memref_slice %arg6[%arg0, %mul3A_19, %dma_wait3A] : memref<2x10112x128xf32, #tpu.memory_space<hbm>> -> memref<1x632x128xf32, #tpu.memory_space<hbm>>
      %dma_wait3A_25 = tpu.memref_squeeze %dma_wait3A_24 : memref<1x632x128xf32, #tpu.memory_space<hbm>> -> memref<632x128xf32, #tpu.memory_space<hbm>>
      %dma_wait3A_26 = arith.constant 0 : i32
      %dma_wait3A_27 = tpu.memref_slice %arg10[%mul3A_17, %dma_wait3A_26] : memref<10112x128xf32, #tpu.memory_space<vmem_shared>> -> memref<632x128xf32, #tpu.memory_space<vmem_shared>>
      tpu.wait_dma2 semaphore(%run_scoped3A : memref<!tpu.dma_semaphore, #tpu.memory_space<semaphore_mem>>) src(%dma_wait3A_27 : memref<632x128xf32, #tpu.memory_space<vmem_shared>>) dst(%dma_wait3A_25 : memref<632x128xf32, #tpu.memory_space<hbm>>)
      tpu.yield
    }) : () -> ()
    return
  }
}

#map = affine_map<(d0, d1) -> (0, 0)>
#map1 = affine_map<(d0, d1) -> (0, 0, 0)>
module attributes {stable_mosaic.version = 14 : i64} {
  func.func @seg_kernel(%arg0: i32, %arg1: i32, %arg2: memref<10016x128xf32, #tpu.memory_space<hbm>>, %arg3: memref<32x103x128xi32, #tpu.memory_space<hbm>>, %arg4: memref<32x103x128xi32, #tpu.memory_space<hbm>>, %arg5: memref<632x128xf32, #tpu.memory_space<hbm>>, %arg6: memref<2x10112x128xf32, #tpu.memory_space<hbm>>, %arg7: memref<103x128xi32, #tpu.memory_space<vmem>>, %arg8: memref<103x128xi32, #tpu.memory_space<vmem>>, %arg9: memref<128x128xf32, #tpu.memory_space<vmem>>, %arg10: memref<10112x128xf32, #tpu.memory_space<vmem_shared>>, %arg11: memref<!tpu.dma_semaphore, #tpu.memory_space<semaphore_mem>>) attributes {dimension_semantics = [#tpu.dimension_semantics<core_parallel>, #tpu.dimension_semantics<subcore_parallel>], iteration_bounds = array<i64: 2, 16>, scalar_prefetch = 0 : i64, scratch_operands = 5 : i64, tpu.core_type = #tpu.core_type<sc_vector_subcore>, window_params = [{transform_indices = #map}, {transform_indices = #map1}, {transform_indices = #map1}, {transform_indices = #map}, {transform_indices = #map1}]} {
    %mul3A = arith.constant 16 : i32
    %mul3A_0 = arith.muli %arg0, %mul3A : i32
    %add3A = arith.addi %mul3A_0, %arg1 : i32
    %mul3A_1 = arith.constant 632 : i32
    %mul3A_2 = arith.muli %arg1, %mul3A_1 : i32
    "tpu.region"() ({
      %run_scoped3A = tpu.sem_alloc : memref<!tpu.dma_semaphore, #tpu.memory_space<semaphore_mem>>
      %dma_start3A = arith.constant 0 : i32
      %dma_start3A_20 = tpu.memref_slice %arg10[%mul3A_2, %dma_start3A] : memref<10112x128xf32, #tpu.memory_space<vmem_shared>> -> memref<632x128xf32, #tpu.memory_space<vmem_shared>>
      tpu.enqueue_dma source(%arg5 : memref<632x128xf32, #tpu.memory_space<hbm>>) target(%dma_start3A_20 : memref<632x128xf32, #tpu.memory_space<vmem_shared>>) target_semaphore(%run_scoped3A : memref<!tpu.dma_semaphore, #tpu.memory_space<semaphore_mem>>)
      %dma_wait3A = arith.constant 0 : i32
      %dma_wait3A_21 = tpu.memref_slice %arg10[%mul3A_2, %dma_wait3A] : memref<10112x128xf32, #tpu.memory_space<vmem_shared>> -> memref<632x128xf32, #tpu.memory_space<vmem_shared>>
      tpu.wait_dma2 semaphore(%run_scoped3A : memref<!tpu.dma_semaphore, #tpu.memory_space<semaphore_mem>>) src(%arg5 : memref<632x128xf32, #tpu.memory_space<hbm>>) dst(%dma_wait3A_21 : memref<632x128xf32, #tpu.memory_space<vmem_shared>>)
      tpu.yield
    }) : () -> ()
    "tpu.region"() ({
      %run_scoped3A = tpu.sem_alloc : memref<!tpu.dma_semaphore, #tpu.memory_space<semaphore_mem>>
      %dma_start3A = arith.constant 0 : i32
      %dma_start3A_20 = arith.constant 0 : i32
      %dma_start3A_21 = tpu.memref_slice %arg3[%add3A, %dma_start3A, %dma_start3A_20] : memref<32x103x128xi32, #tpu.memory_space<hbm>> -> memref<1x103x128xi32, #tpu.memory_space<hbm>>
      %dma_start3A_22 = tpu.memref_squeeze %dma_start3A_21 : memref<1x103x128xi32, #tpu.memory_space<hbm>> -> memref<103x128xi32, #tpu.memory_space<hbm>>
      %dma_start3A_23 = arith.constant 0 : i32
      %dma_start3A_24 = arith.constant 0 : i32
      %dma_start3A_25 = tpu.memref_slice %arg3[%add3A, %dma_start3A_23, %dma_start3A_24] : memref<32x103x128xi32, #tpu.memory_space<hbm>> -> memref<1x103x128xi32, #tpu.memory_space<hbm>>
      %dma_start3A_26 = tpu.memref_squeeze %dma_start3A_25 : memref<1x103x128xi32, #tpu.memory_space<hbm>> -> memref<103x128xi32, #tpu.memory_space<hbm>>
      tpu.enqueue_dma source(%dma_start3A_26 : memref<103x128xi32, #tpu.memory_space<hbm>>) target(%arg7 : memref<103x128xi32, #tpu.memory_space<vmem>>) target_semaphore(%run_scoped3A : memref<!tpu.dma_semaphore, #tpu.memory_space<semaphore_mem>>)
      %dma_wait3A = arith.constant 0 : i32
      %dma_wait3A_27 = arith.constant 0 : i32
      %dma_wait3A_28 = tpu.memref_slice %arg3[%add3A, %dma_wait3A, %dma_wait3A_27] : memref<32x103x128xi32, #tpu.memory_space<hbm>> -> memref<1x103x128xi32, #tpu.memory_space<hbm>>
      %dma_wait3A_29 = tpu.memref_squeeze %dma_wait3A_28 : memref<1x103x128xi32, #tpu.memory_space<hbm>> -> memref<103x128xi32, #tpu.memory_space<hbm>>
      %dma_wait3A_30 = arith.constant 0 : i32
      %dma_wait3A_31 = arith.constant 0 : i32
      %dma_wait3A_32 = tpu.memref_slice %arg3[%add3A, %dma_wait3A_30, %dma_wait3A_31] : memref<32x103x128xi32, #tpu.memory_space<hbm>> -> memref<1x103x128xi32, #tpu.memory_space<hbm>>
      %dma_wait3A_33 = tpu.memref_squeeze %dma_wait3A_32 : memref<1x103x128xi32, #tpu.memory_space<hbm>> -> memref<103x128xi32, #tpu.memory_space<hbm>>
      tpu.wait_dma2 semaphore(%run_scoped3A : memref<!tpu.dma_semaphore, #tpu.memory_space<semaphore_mem>>) src(%dma_wait3A_33 : memref<103x128xi32, #tpu.memory_space<hbm>>) dst(%arg7 : memref<103x128xi32, #tpu.memory_space<vmem>>)
      tpu.yield
    }) : () -> ()
    "tpu.region"() ({
      %run_scoped3A = tpu.sem_alloc : memref<!tpu.dma_semaphore, #tpu.memory_space<semaphore_mem>>
      %dma_start3A = arith.constant 0 : i32
      %dma_start3A_20 = arith.constant 0 : i32
      %dma_start3A_21 = tpu.memref_slice %arg4[%add3A, %dma_start3A, %dma_start3A_20] : memref<32x103x128xi32, #tpu.memory_space<hbm>> -> memref<1x103x128xi32, #tpu.memory_space<hbm>>
      %dma_start3A_22 = tpu.memref_squeeze %dma_start3A_21 : memref<1x103x128xi32, #tpu.memory_space<hbm>> -> memref<103x128xi32, #tpu.memory_space<hbm>>
      %dma_start3A_23 = arith.constant 0 : i32
      %dma_start3A_24 = arith.constant 0 : i32
      %dma_start3A_25 = tpu.memref_slice %arg4[%add3A, %dma_start3A_23, %dma_start3A_24] : memref<32x103x128xi32, #tpu.memory_space<hbm>> -> memref<1x103x128xi32, #tpu.memory_space<hbm>>
      %dma_start3A_26 = tpu.memref_squeeze %dma_start3A_25 : memref<1x103x128xi32, #tpu.memory_space<hbm>> -> memref<103x128xi32, #tpu.memory_space<hbm>>
      tpu.enqueue_dma source(%dma_start3A_26 : memref<103x128xi32, #tpu.memory_space<hbm>>) target(%arg8 : memref<103x128xi32, #tpu.memory_space<vmem>>) target_semaphore(%run_scoped3A : memref<!tpu.dma_semaphore, #tpu.memory_space<semaphore_mem>>)
      %dma_wait3A = arith.constant 0 : i32
      %dma_wait3A_27 = arith.constant 0 : i32
      %dma_wait3A_28 = tpu.memref_slice %arg4[%add3A, %dma_wait3A, %dma_wait3A_27] : memref<32x103x128xi32, #tpu.memory_space<hbm>> -> memref<1x103x128xi32, #tpu.memory_space<hbm>>
      %dma_wait3A_29 = tpu.memref_squeeze %dma_wait3A_28 : memref<1x103x128xi32, #tpu.memory_space<hbm>> -> memref<103x128xi32, #tpu.memory_space<hbm>>
      %dma_wait3A_30 = arith.constant 0 : i32
      %dma_wait3A_31 = arith.constant 0 : i32
      %dma_wait3A_32 = tpu.memref_slice %arg4[%add3A, %dma_wait3A_30, %dma_wait3A_31] : memref<32x103x128xi32, #tpu.memory_space<hbm>> -> memref<1x103x128xi32, #tpu.memory_space<hbm>>
      %dma_wait3A_33 = tpu.memref_squeeze %dma_wait3A_32 : memref<1x103x128xi32, #tpu.memory_space<hbm>> -> memref<103x128xi32, #tpu.memory_space<hbm>>
      tpu.wait_dma2 semaphore(%run_scoped3A : memref<!tpu.dma_semaphore, #tpu.memory_space<semaphore_mem>>) src(%dma_wait3A_33 : memref<103x128xi32, #tpu.memory_space<hbm>>) dst(%arg8 : memref<103x128xi32, #tpu.memory_space<vmem>>)
      tpu.yield
    }) : () -> ()
    %barrier3A = arith.constant 0 : index
    tpu.barrier barrier_id(%barrier3A)
    %eq3A = arith.constant 0 : i32
    %eq3A_3 = arith.cmpi eq, %arg0, %eq3A : i32
    %select_n3A = arith.constant 55 : i32
    %select_n3A_4 = arith.constant 103 : i32
    %select_n3A_5 = arith.select %eq3A_3, %select_n3A_4, %select_n3A : i32
    %while3A = arith.constant 0 : i32
    %while3A_6 = arith.constant 0 : i32
    %while3A_7 = arith.subi %select_n3A_5, %while3A_6 : i32
    %while3A_8 = arith.addi %while3A_6, %while3A_7 : i32
    %while3A_9 = arith.constant 1 : i32
    %while3A_10 = arith.divsi %while3A_7, %while3A_9 : i32
    %while3A_11 = arith.muli %while3A_10, %while3A_9 : i32
    %while3A_12 = arith.addi %while3A_6, %while3A_11 : i32
    %while3A_13 = arith.constant 1 : i32
    scf.for %while3A_20 = %while3A_6 to %while3A_12 step %while3A_13  : i32 {
      %dma_start3A = arith.constant 0 : i32
      %dma_start3A_21 = tpu.memref_slice %arg7[%while3A_20, %dma_start3A] : memref<103x128xi32, #tpu.memory_space<vmem>> -> memref<1x128xi32, #tpu.memory_space<vmem>>
      %dma_start3A_22 = tpu.memref_squeeze %dma_start3A_21 : memref<1x128xi32, #tpu.memory_space<vmem>> -> memref<128xi32, #tpu.memory_space<vmem>>
      %dma_start3A_23 = arith.constant 0 : i32
      %dma_start3A_24 = arith.constant 0 : i32
      %dma_start3A_25 = tpu.memref_slice %arg2[%dma_start3A_23, %dma_start3A_24] : memref<10016x128xf32, #tpu.memory_space<hbm>> -> memref<10016x128xf32, #tpu.memory_space<hbm>>
      tpu.enqueue_indirect_dma source(%dma_start3A_25 : memref<10016x128xf32, #tpu.memory_space<hbm>>) target(%arg9 : memref<128x128xf32, #tpu.memory_space<vmem>>) offsets(%dma_start3A_22 : memref<128xi32, #tpu.memory_space<vmem>>) semaphore(%arg11 : memref<!tpu.dma_semaphore, #tpu.memory_space<semaphore_mem>>)
      %dma_wait3A = arith.constant 0 : i32
      %dma_wait3A_26 = tpu.memref_slice %arg7[%while3A_20, %dma_wait3A] : memref<103x128xi32, #tpu.memory_space<vmem>> -> memref<1x128xi32, #tpu.memory_space<vmem>>
      %dma_wait3A_27 = tpu.memref_squeeze %dma_wait3A_26 : memref<1x128xi32, #tpu.memory_space<vmem>> -> memref<128xi32, #tpu.memory_space<vmem>>
      %dma_wait3A_28 = arith.constant 0 : i32
      %dma_wait3A_29 = arith.constant 0 : i32
      %dma_wait3A_30 = tpu.memref_slice %arg2[%dma_wait3A_28, %dma_wait3A_29] : memref<10016x128xf32, #tpu.memory_space<hbm>> -> memref<10016x128xf32, #tpu.memory_space<hbm>>
      tpu.wait_indirect_dma semaphore(%arg11 : memref<!tpu.dma_semaphore, #tpu.memory_space<semaphore_mem>>) src(%dma_wait3A_30 : memref<10016x128xf32, #tpu.memory_space<hbm>>) dst(%arg9 : memref<128x128xf32, #tpu.memory_space<vmem>>)
      "tpu.region"() ({
        %run_scoped3A = tpu.sem_alloc : memref<!tpu.dma_semaphore, #tpu.memory_space<semaphore_mem>>
        %dma_start3A_31 = arith.constant 0 : i32
        %dma_start3A_32 = tpu.memref_slice %arg8[%while3A_20, %dma_start3A_31] : memref<103x128xi32, #tpu.memory_space<vmem>> -> memref<1x128xi32, #tpu.memory_space<vmem>>
        %dma_start3A_33 = tpu.memref_squeeze %dma_start3A_32 : memref<1x128xi32, #tpu.memory_space<vmem>> -> memref<128xi32, #tpu.memory_space<vmem>>
        %dma_start3A_34 = arith.constant 0 : i32
        %dma_start3A_35 = arith.constant 0 : i32
        %dma_start3A_36 = tpu.memref_slice %arg10[%dma_start3A_34, %dma_start3A_35] : memref<10112x128xf32, #tpu.memory_space<vmem_shared>> -> memref<10112x128xf32, #tpu.memory_space<vmem_shared>>
        tpu.enqueue_indirect_dma source(%arg9 : memref<128x128xf32, #tpu.memory_space<vmem>>) target(%dma_start3A_36 : memref<10112x128xf32, #tpu.memory_space<vmem_shared>>) offsets(%dma_start3A_33 : memref<128xi32, #tpu.memory_space<vmem>>) semaphore(%run_scoped3A : memref<!tpu.dma_semaphore, #tpu.memory_space<semaphore_mem>>) {add = true}
        %dma_wait3A_37 = arith.constant 0 : i32
        %dma_wait3A_38 = tpu.memref_slice %arg8[%while3A_20, %dma_wait3A_37] : memref<103x128xi32, #tpu.memory_space<vmem>> -> memref<1x128xi32, #tpu.memory_space<vmem>>
        %dma_wait3A_39 = tpu.memref_squeeze %dma_wait3A_38 : memref<1x128xi32, #tpu.memory_space<vmem>> -> memref<128xi32, #tpu.memory_space<vmem>>
        %dma_wait3A_40 = arith.constant 0 : i32
        %dma_wait3A_41 = arith.constant 0 : i32
        %dma_wait3A_42 = tpu.memref_slice %arg10[%dma_wait3A_40, %dma_wait3A_41] : memref<10112x128xf32, #tpu.memory_space<vmem_shared>> -> memref<10112x128xf32, #tpu.memory_space<vmem_shared>>
        tpu.wait_indirect_dma semaphore(%run_scoped3A : memref<!tpu.dma_semaphore, #tpu.memory_space<semaphore_mem>>) src(%arg9 : memref<128x128xf32, #tpu.memory_space<vmem>>) dst(%dma_wait3A_42 : memref<10112x128xf32, #tpu.memory_space<vmem_shared>>)
        tpu.yield
      }) : () -> ()
    }
    %while3A_14 = arith.constant 1 : i32
    scf.for %while3A_20 = %while3A_12 to %while3A_8 step %while3A_14  : i32 {
      %dma_start3A = arith.constant 0 : i32
      %dma_start3A_21 = tpu.memref_slice %arg7[%while3A_20, %dma_start3A] : memref<103x128xi32, #tpu.memory_space<vmem>> -> memref<1x128xi32, #tpu.memory_space<vmem>>
      %dma_start3A_22 = tpu.memref_squeeze %dma_start3A_21 : memref<1x128xi32, #tpu.memory_space<vmem>> -> memref<128xi32, #tpu.memory_space<vmem>>
      %dma_start3A_23 = arith.constant 0 : i32
      %dma_start3A_24 = arith.constant 0 : i32
      %dma_start3A_25 = tpu.memref_slice %arg2[%dma_start3A_23, %dma_start3A_24] : memref<10016x128xf32, #tpu.memory_space<hbm>> -> memref<10016x128xf32, #tpu.memory_space<hbm>>
      tpu.enqueue_indirect_dma source(%dma_start3A_25 : memref<10016x128xf32, #tpu.memory_space<hbm>>) target(%arg9 : memref<128x128xf32, #tpu.memory_space<vmem>>) offsets(%dma_start3A_22 : memref<128xi32, #tpu.memory_space<vmem>>) semaphore(%arg11 : memref<!tpu.dma_semaphore, #tpu.memory_space<semaphore_mem>>)
      %dma_wait3A = arith.constant 0 : i32
      %dma_wait3A_26 = tpu.memref_slice %arg7[%while3A_20, %dma_wait3A] : memref<103x128xi32, #tpu.memory_space<vmem>> -> memref<1x128xi32, #tpu.memory_space<vmem>>
      %dma_wait3A_27 = tpu.memref_squeeze %dma_wait3A_26 : memref<1x128xi32, #tpu.memory_space<vmem>> -> memref<128xi32, #tpu.memory_space<vmem>>
      %dma_wait3A_28 = arith.constant 0 : i32
      %dma_wait3A_29 = arith.constant 0 : i32
      %dma_wait3A_30 = tpu.memref_slice %arg2[%dma_wait3A_28, %dma_wait3A_29] : memref<10016x128xf32, #tpu.memory_space<hbm>> -> memref<10016x128xf32, #tpu.memory_space<hbm>>
      tpu.wait_indirect_dma semaphore(%arg11 : memref<!tpu.dma_semaphore, #tpu.memory_space<semaphore_mem>>) src(%dma_wait3A_30 : memref<10016x128xf32, #tpu.memory_space<hbm>>) dst(%arg9 : memref<128x128xf32, #tpu.memory_space<vmem>>)
      "tpu.region"() ({
        %run_scoped3A = tpu.sem_alloc : memref<!tpu.dma_semaphore, #tpu.memory_space<semaphore_mem>>
        %dma_start3A_31 = arith.constant 0 : i32
        %dma_start3A_32 = tpu.memref_slice %arg8[%while3A_20, %dma_start3A_31] : memref<103x128xi32, #tpu.memory_space<vmem>> -> memref<1x128xi32, #tpu.memory_space<vmem>>
        %dma_start3A_33 = tpu.memref_squeeze %dma_start3A_32 : memref<1x128xi32, #tpu.memory_space<vmem>> -> memref<128xi32, #tpu.memory_space<vmem>>
        %dma_start3A_34 = arith.constant 0 : i32
        %dma_start3A_35 = arith.constant 0 : i32
        %dma_start3A_36 = tpu.memref_slice %arg10[%dma_start3A_34, %dma_start3A_35] : memref<10112x128xf32, #tpu.memory_space<vmem_shared>> -> memref<10112x128xf32, #tpu.memory_space<vmem_shared>>
        tpu.enqueue_indirect_dma source(%arg9 : memref<128x128xf32, #tpu.memory_space<vmem>>) target(%dma_start3A_36 : memref<10112x128xf32, #tpu.memory_space<vmem_shared>>) offsets(%dma_start3A_33 : memref<128xi32, #tpu.memory_space<vmem>>) semaphore(%run_scoped3A : memref<!tpu.dma_semaphore, #tpu.memory_space<semaphore_mem>>) {add = true}
        %dma_wait3A_37 = arith.constant 0 : i32
        %dma_wait3A_38 = tpu.memref_slice %arg8[%while3A_20, %dma_wait3A_37] : memref<103x128xi32, #tpu.memory_space<vmem>> -> memref<1x128xi32, #tpu.memory_space<vmem>>
        %dma_wait3A_39 = tpu.memref_squeeze %dma_wait3A_38 : memref<1x128xi32, #tpu.memory_space<vmem>> -> memref<128xi32, #tpu.memory_space<vmem>>
        %dma_wait3A_40 = arith.constant 0 : i32
        %dma_wait3A_41 = arith.constant 0 : i32
        %dma_wait3A_42 = tpu.memref_slice %arg10[%dma_wait3A_40, %dma_wait3A_41] : memref<10112x128xf32, #tpu.memory_space<vmem_shared>> -> memref<10112x128xf32, #tpu.memory_space<vmem_shared>>
        tpu.wait_indirect_dma semaphore(%run_scoped3A : memref<!tpu.dma_semaphore, #tpu.memory_space<semaphore_mem>>) src(%arg9 : memref<128x128xf32, #tpu.memory_space<vmem>>) dst(%dma_wait3A_42 : memref<10112x128xf32, #tpu.memory_space<vmem_shared>>)
        tpu.yield
      }) : () -> ()
    }
    %barrier3A_15 = arith.constant 0 : index
    tpu.barrier barrier_id(%barrier3A_15)
    %mul3A_16 = arith.constant 632 : i32
    %mul3A_17 = arith.muli %arg1, %mul3A_16 : i32
    %mul3A_18 = arith.constant 632 : i32
    %mul3A_19 = arith.muli %arg1, %mul3A_18 : i32
    "tpu.region"() ({
      %run_scoped3A = tpu.sem_alloc : memref<!tpu.dma_semaphore, #tpu.memory_space<semaphore_mem>>
      %dma_start3A = arith.constant 0 : i32
      %dma_start3A_20 = tpu.memref_slice %arg6[%arg0, %mul3A_19, %dma_start3A] : memref<2x10112x128xf32, #tpu.memory_space<hbm>> -> memref<1x632x128xf32, #tpu.memory_space<hbm>>
      %dma_start3A_21 = tpu.memref_squeeze %dma_start3A_20 : memref<1x632x128xf32, #tpu.memory_space<hbm>> -> memref<632x128xf32, #tpu.memory_space<hbm>>
      %dma_start3A_22 = arith.constant 0 : i32
      %dma_start3A_23 = tpu.memref_slice %arg10[%mul3A_17, %dma_start3A_22] : memref<10112x128xf32, #tpu.memory_space<vmem_shared>> -> memref<632x128xf32, #tpu.memory_space<vmem_shared>>
      tpu.enqueue_dma source(%dma_start3A_23 : memref<632x128xf32, #tpu.memory_space<vmem_shared>>) target(%dma_start3A_21 : memref<632x128xf32, #tpu.memory_space<hbm>>) target_semaphore(%run_scoped3A : memref<!tpu.dma_semaphore, #tpu.memory_space<semaphore_mem>>)
      %dma_wait3A = arith.constant 0 : i32
      %dma_wait3A_24 = tpu.memref_slice %arg6[%arg0, %mul3A_19, %dma_wait3A] : memref<2x10112x128xf32, #tpu.memory_space<hbm>> -> memref<1x632x128xf32, #tpu.memory_space<hbm>>
      %dma_wait3A_25 = tpu.memref_squeeze %dma_wait3A_24 : memref<1x632x128xf32, #tpu.memory_space<hbm>> -> memref<632x128xf32, #tpu.memory_space<hbm>>
      %dma_wait3A_26 = arith.constant 0 : i32
      %dma_wait3A_27 = tpu.memref_slice %arg10[%mul3A_17, %dma_wait3A_26] : memref<10112x128xf32, #tpu.memory_space<vmem_shared>> -> memref<632x128xf32, #tpu.memory_space<vmem_shared>>
      tpu.wait_dma2 semaphore(%run_scoped3A : memref<!tpu.dma_semaphore, #tpu.memory_space<semaphore_mem>>) src(%dma_wait3A_27 : memref<632x128xf32, #tpu.memory_space<vmem_shared>>) dst(%dma_wait3A_25 : memref<632x128xf32, #tpu.memory_space<hbm>>)
      tpu.yield
    }) : () -> ()
    return
  }
}

module attributes {stable_mosaic.version = 14 : i64} {
  func.func @body(%arg0: i32, %arg1: memref<2000x128xf32, #tpu.memory_space<vmem>>, %arg2: memref<128x128xf32, #tpu.memory_space<vmem>>, %arg3: memref<1x128xf32, #tpu.memory_space<vmem>>, %arg4: memref<128x128xf32, #tpu.memory_space<vmem>>, %arg5: memref<1x128xf32, #tpu.memory_space<vmem>>, %arg6: memref<2000x128xf32, #tpu.memory_space<vmem>>) attributes {dimension_semantics = [#tpu.dimension_semantics<arbitrary>], iteration_bounds = array<i64: 5>, scalar_prefetch = 0 : i64, scratch_operands = 0 : i64, tpu.core_type = #tpu.core_type<tc>, window_params = [{transform_indices = @transform_0, window_bounds = array<i64: 2000, 128>}, {pipeline_mode = #tpu.pipeline_mode<synchronous>, transform_indices = @transform_1, window_bounds = array<i64: 128, 128>}, {pipeline_mode = #tpu.pipeline_mode<synchronous>, transform_indices = @transform_2, window_bounds = array<i64: 1, 128>}, {pipeline_mode = #tpu.pipeline_mode<synchronous>, transform_indices = @transform_3, window_bounds = array<i64: 128, 128>}, {pipeline_mode = #tpu.pipeline_mode<synchronous>, transform_indices = @transform_4, window_bounds = array<i64: 1, 128>}, {transform_indices = @transform_5, window_bounds = array<i64: 2000, 128>}]} {
    %get3A = arith.constant 0 : index
    %get3A_0 = arith.constant 0 : index
    %get3A_1 = vector.load %arg1[%get3A, %get3A_0] : memref<2000x128xf32, #tpu.memory_space<vmem>>, vector<2000x128xf32>
    %get3A_2 = arith.constant 0 : index
    %get3A_3 = arith.constant 0 : index
    %get3A_4 = vector.load %arg2[%get3A_2, %get3A_3] : memref<128x128xf32, #tpu.memory_space<vmem>>, vector<128x128xf32>
    %dot_general3A = arith.constant dense<0.000000e+00> : vector<2000x128xf32>
    %dot_general3A_5 = tpu.matmul %get3A_1, %get3A_4, %dot_general3A {dimension_numbers = #tpu.dot_dimension_numbers<[1], [0], [0], [1], [0, 0, 1, 1], [], []>, transpose_lhs_hint = false} : vector<2000x128xf32>, vector<128x128xf32>, vector<2000x128xf32> -> vector<2000x128xf32>
    %get3A_6 = arith.constant 0 : index
    %get3A_7 = arith.constant 0 : index
    %get3A_8 = vector.load %arg3[%get3A_6, %get3A_7] : memref<1x128xf32, #tpu.memory_space<vmem>>, vector<1x128xf32>
    %add3A = vector.broadcast %get3A_8 : vector<1x128xf32> to vector<2000x128xf32>
    %add3A_9 = arith.addf %dot_general3A_5, %add3A : vector<2000x128xf32>
    %gt3A = arith.constant 0.000000e+00 : f32
    %gt3A_10 = vector.broadcast %gt3A : f32 to vector<2000x128xf32>
    %gt3A_11 = arith.cmpf ogt, %add3A_9, %gt3A_10 : vector<2000x128xf32>
    %exp3A = math.exp %add3A_9 : vector<2000x128xf32>
    %sub3A = arith.constant 1.000000e+00 : f32
    %sub3A_12 = vector.broadcast %sub3A : f32 to vector<2000x128xf32>
    %sub3A_13 = arith.subf %exp3A, %sub3A_12 : vector<2000x128xf32>
    %select_n3A = arith.select %gt3A_11, %add3A_9, %sub3A_13 : vector<2000x128xi1>, vector<2000x128xf32>
    %get3A_14 = arith.constant 0 : index
    %get3A_15 = arith.constant 0 : index
    %get3A_16 = vector.load %arg4[%get3A_14, %get3A_15] : memref<128x128xf32, #tpu.memory_space<vmem>>, vector<128x128xf32>
    %dot_general3A_17 = arith.constant dense<0.000000e+00> : vector<2000x128xf32>
    %dot_general3A_18 = tpu.matmul %select_n3A, %get3A_16, %dot_general3A_17 {dimension_numbers = #tpu.dot_dimension_numbers<[1], [0], [0], [1], [0, 0, 1, 1], [], []>, transpose_lhs_hint = false} : vector<2000x128xf32>, vector<128x128xf32>, vector<2000x128xf32> -> vector<2000x128xf32>
    %get3A_19 = arith.constant 0 : index
    %get3A_20 = arith.constant 0 : index
    %get3A_21 = vector.load %arg5[%get3A_19, %get3A_20] : memref<1x128xf32, #tpu.memory_space<vmem>>, vector<1x128xf32>
    %add3A_22 = vector.broadcast %get3A_21 : vector<1x128xf32> to vector<2000x128xf32>
    %add3A_23 = arith.addf %dot_general3A_18, %add3A_22 : vector<2000x128xf32>
    %gt3A_24 = arith.constant 0.000000e+00 : f32
    %gt3A_25 = vector.broadcast %gt3A_24 : f32 to vector<2000x128xf32>
    %gt3A_26 = arith.cmpf ogt, %add3A_23, %gt3A_25 : vector<2000x128xf32>
    %exp3A_27 = math.exp %add3A_23 : vector<2000x128xf32>
    %sub3A_28 = arith.constant 1.000000e+00 : f32
    %sub3A_29 = vector.broadcast %sub3A_28 : f32 to vector<2000x128xf32>
    %sub3A_30 = arith.subf %exp3A_27, %sub3A_29 : vector<2000x128xf32>
    %select_n3A_31 = arith.select %gt3A_26, %add3A_23, %sub3A_30 : vector<2000x128xi1>, vector<2000x128xf32>
    %swap3A = arith.constant 0 : index
    %swap3A_32 = arith.constant 0 : index
    %swap3A_33 = vector.load %arg6[%swap3A, %swap3A_32] : memref<2000x128xf32, #tpu.memory_space<vmem>>, vector<2000x128xf32>
    tpu.vector_store %arg6[%swap3A, %swap3A_32], %select_n3A_31 {strides = array<i32>} : memref<2000x128xf32, #tpu.memory_space<vmem>>, vector<2000x128xf32>,
    return
  }
  func.func @transform_0(%arg0: i32) -> (i32, i32) {
    %c0_i32 = arith.constant 0 : i32
    %c0_i32_0 = arith.constant 0 : i32
    return %arg0, %c0_i32 : i32, i32
  }
  func.func @transform_1(%arg0: i32) -> (i32, i32) {
    %c0_i32 = arith.constant 0 : i32
    %c0_i32_0 = arith.constant 0 : i32
    %c0_i32_1 = arith.constant 0 : i32
    return %c0_i32, %c0_i32_0 : i32, i32
  }
  func.func @transform_2(%arg0: i32) -> (i32, i32) {
    %c0_i32 = arith.constant 0 : i32
    %c0_i32_0 = arith.constant 0 : i32
    %c0_i32_1 = arith.constant 0 : i32
    return %c0_i32, %c0_i32_0 : i32, i32
  }
  func.func @transform_3(%arg0: i32) -> (i32, i32) {
    %c0_i32 = arith.constant 0 : i32
    %c0_i32_0 = arith.constant 0 : i32
    %c0_i32_1 = arith.constant 0 : i32
    return %c0_i32, %c0_i32_0 : i32, i32
  }
  func.func @transform_4(%arg0: i32) -> (i32, i32) {
    %c0_i32 = arith.constant 0 : i32
    %c0_i32_0 = arith.constant 0 : i32
    %c0_i32_1 = arith.constant 0 : i32
    return %c0_i32, %c0_i32_0 : i32, i32
  }
  func.func @transform_5(%arg0: i32) -> (i32, i32) {
    %c0_i32 = arith.constant 0 : i32
    %c0_i32_0 = arith.constant 0 : i32
    return %arg0, %c0_i32 : i32, i32
  }
}

module attributes {stable_mosaic.version = 14 : i64} {
  func.func @body(%arg0: i32, %arg1: memref<2000x128xf32, #tpu.memory_space<vmem>>, %arg2: memref<2x2000x128xf32, #tpu.memory_space<vmem>>, %arg3: memref<128x128xf32, #tpu.memory_space<vmem>>, %arg4: memref<1x128xf32, #tpu.memory_space<vmem>>, %arg5: memref<128x128xf32, #tpu.memory_space<vmem>>, %arg6: memref<128x128xf32, #tpu.memory_space<vmem>>, %arg7: memref<1x128xf32, #tpu.memory_space<vmem>>, %arg8: memref<128x128xf32, #tpu.memory_space<vmem>>, %arg9: memref<1x128xf32, #tpu.memory_space<vmem>>, %arg10: memref<128x128xf32, #tpu.memory_space<vmem>>, %arg11: memref<1x128xf32, #tpu.memory_space<vmem>>, %arg12: memref<2000x128xf32, #tpu.memory_space<vmem>>) attributes {dimension_semantics = [#tpu.dimension_semantics<arbitrary>], iteration_bounds = array<i64: 5>, scalar_prefetch = 0 : i64, scratch_operands = 0 : i64, tpu.core_type = #tpu.core_type<tc>, window_params = [{transform_indices = @transform_0, window_bounds = array<i64: 2000, 128>}, {transform_indices = @transform_1, window_bounds = array<i64: 2, 2000, 128>}, {pipeline_mode = #tpu.pipeline_mode<synchronous>, transform_indices = @transform_2, window_bounds = array<i64: 128, 128>}, {pipeline_mode = #tpu.pipeline_mode<synchronous>, transform_indices = @transform_3, window_bounds = array<i64: 1, 128>}, {pipeline_mode = #tpu.pipeline_mode<synchronous>, transform_indices = @transform_4, window_bounds = array<i64: 128, 128>}, {pipeline_mode = #tpu.pipeline_mode<synchronous>, transform_indices = @transform_5, window_bounds = array<i64: 128, 128>}, {pipeline_mode = #tpu.pipeline_mode<synchronous>, transform_indices = @transform_6, window_bounds = array<i64: 1, 128>}, {pipeline_mode = #tpu.pipeline_mode<synchronous>, transform_indices = @transform_7, window_bounds = array<i64: 128, 128>}, {pipeline_mode = #tpu.pipeline_mode<synchronous>, transform_indices = @transform_8, window_bounds = array<i64: 1, 128>}, {pipeline_mode = #tpu.pipeline_mode<synchronous>, transform_indices = @transform_9, window_bounds = array<i64: 128, 128>}, {pipeline_mode = #tpu.pipeline_mode<synchronous>, transform_indices = @transform_10, window_bounds = array<i64: 1, 128>}, {transform_indices = @transform_11, window_bounds = array<i64: 2000, 128>}]} {
    %get3A = arith.constant 0 : index
    %get3A_0 = arith.constant 0 : index
    %get3A_1 = arith.constant 0 : index
    %get3A_2 = vector.load %arg2[%get3A, %get3A_0, %get3A_1] : memref<2x2000x128xf32, #tpu.memory_space<vmem>>, vector<1x2000x128xf32>
    %get3A_3 = vector.shape_cast %get3A_2 : vector<1x2000x128xf32> to vector<2000x128xf32>
    %get3A_4 = arith.constant 1 : index
    %get3A_5 = arith.constant 0 : index
    %get3A_6 = arith.constant 0 : index
    %get3A_7 = vector.load %arg2[%get3A_4, %get3A_5, %get3A_6] : memref<2x2000x128xf32, #tpu.memory_space<vmem>>, vector<1x2000x128xf32>
    %get3A_8 = vector.shape_cast %get3A_7 : vector<1x2000x128xf32> to vector<2000x128xf32>
    %add3A = arith.addf %get3A_3, %get3A_8 : vector<2000x128xf32>
    %get3A_9 = arith.constant 0 : index
    %get3A_10 = arith.constant 0 : index
    %get3A_11 = vector.load %arg3[%get3A_9, %get3A_10] : memref<128x128xf32, #tpu.memory_space<vmem>>, vector<128x128xf32>
    %dot_general3A = arith.constant dense<0.000000e+00> : vector<2000x128xf32>
    %dot_general3A_12 = tpu.matmul %add3A, %get3A_11, %dot_general3A {dimension_numbers = #tpu.dot_dimension_numbers<[1], [0], [0], [1], [0, 0, 1, 1], [], []>, transpose_lhs_hint = false} : vector<2000x128xf32>, vector<128x128xf32>, vector<2000x128xf32> -> vector<2000x128xf32>
    %get3A_13 = arith.constant 0 : index
    %get3A_14 = arith.constant 0 : index
    %get3A_15 = vector.load %arg4[%get3A_13, %get3A_14] : memref<1x128xf32, #tpu.memory_space<vmem>>, vector<1x128xf32>
    %add3A_16 = vector.broadcast %get3A_15 : vector<1x128xf32> to vector<2000x128xf32>
    %add3A_17 = arith.addf %dot_general3A_12, %add3A_16 : vector<2000x128xf32>
    %get3A_18 = arith.constant 0 : index
    %get3A_19 = arith.constant 0 : index
    %get3A_20 = vector.load %arg1[%get3A_18, %get3A_19] : memref<2000x128xf32, #tpu.memory_space<vmem>>, vector<2000x128xf32>
    %get3A_21 = arith.constant 0 : index
    %get3A_22 = arith.constant 0 : index
    %get3A_23 = vector.load %arg5[%get3A_21, %get3A_22] : memref<128x128xf32, #tpu.memory_space<vmem>>, vector<128x128xf32>
    %dot_general3A_24 = arith.constant dense<0.000000e+00> : vector<2000x128xf32>
    %dot_general3A_25 = tpu.matmul %get3A_20, %get3A_23, %dot_general3A_24 {dimension_numbers = #tpu.dot_dimension_numbers<[1], [0], [0], [1], [0, 0, 1, 1], [], []>, transpose_lhs_hint = false} : vector<2000x128xf32>, vector<128x128xf32>, vector<2000x128xf32> -> vector<2000x128xf32>
    %add3A_26 = arith.addf %add3A_17, %dot_general3A_25 : vector<2000x128xf32>
    %gt3A = arith.constant 0.000000e+00 : f32
    %gt3A_27 = vector.broadcast %gt3A : f32 to vector<2000x128xf32>
    %gt3A_28 = arith.cmpf ogt, %add3A_26, %gt3A_27 : vector<2000x128xf32>
    %exp3A = math.exp %add3A_26 : vector<2000x128xf32>
    %sub3A = arith.constant 1.000000e+00 : f32
    %sub3A_29 = vector.broadcast %sub3A : f32 to vector<2000x128xf32>
    %sub3A_30 = arith.subf %exp3A, %sub3A_29 : vector<2000x128xf32>
    %select_n3A = arith.select %gt3A_28, %add3A_26, %sub3A_30 : vector<2000x128xi1>, vector<2000x128xf32>
    %get3A_31 = arith.constant 0 : index
    %get3A_32 = arith.constant 0 : index
    %get3A_33 = vector.load %arg6[%get3A_31, %get3A_32] : memref<128x128xf32, #tpu.memory_space<vmem>>, vector<128x128xf32>
    %dot_general3A_34 = arith.constant dense<0.000000e+00> : vector<2000x128xf32>
    %dot_general3A_35 = tpu.matmul %select_n3A, %get3A_33, %dot_general3A_34 {dimension_numbers = #tpu.dot_dimension_numbers<[1], [0], [0], [1], [0, 0, 1, 1], [], []>, transpose_lhs_hint = false} : vector<2000x128xf32>, vector<128x128xf32>, vector<2000x128xf32> -> vector<2000x128xf32>
    %get3A_36 = arith.constant 0 : index
    %get3A_37 = arith.constant 0 : index
    %get3A_38 = vector.load %arg7[%get3A_36, %get3A_37] : memref<1x128xf32, #tpu.memory_space<vmem>>, vector<1x128xf32>
    %add3A_39 = vector.broadcast %get3A_38 : vector<1x128xf32> to vector<2000x128xf32>
    %add3A_40 = arith.addf %dot_general3A_35, %add3A_39 : vector<2000x128xf32>
    %gt3A_41 = arith.constant 0.000000e+00 : f32
    %gt3A_42 = vector.broadcast %gt3A_41 : f32 to vector<2000x128xf32>
    %gt3A_43 = arith.cmpf ogt, %add3A_40, %gt3A_42 : vector<2000x128xf32>
    %exp3A_44 = math.exp %add3A_40 : vector<2000x128xf32>
    %sub3A_45 = arith.constant 1.000000e+00 : f32
    %sub3A_46 = vector.broadcast %sub3A_45 : f32 to vector<2000x128xf32>
    %sub3A_47 = arith.subf %exp3A_44, %sub3A_46 : vector<2000x128xf32>
    %select_n3A_48 = arith.select %gt3A_43, %add3A_40, %sub3A_47 : vector<2000x128xi1>, vector<2000x128xf32>
    %get3A_49 = arith.constant 0 : index
    %get3A_50 = arith.constant 0 : index
    %get3A_51 = vector.load %arg8[%get3A_49, %get3A_50] : memref<128x128xf32, #tpu.memory_space<vmem>>, vector<128x128xf32>
    %dot_general3A_52 = arith.constant dense<0.000000e+00> : vector<2000x128xf32>
    %dot_general3A_53 = tpu.matmul %select_n3A_48, %get3A_51, %dot_general3A_52 {dimension_numbers = #tpu.dot_dimension_numbers<[1], [0], [0], [1], [0, 0, 1, 1], [], []>, transpose_lhs_hint = false} : vector<2000x128xf32>, vector<128x128xf32>, vector<2000x128xf32> -> vector<2000x128xf32>
    %get3A_54 = arith.constant 0 : index
    %get3A_55 = arith.constant 0 : index
    %get3A_56 = vector.load %arg9[%get3A_54, %get3A_55] : memref<1x128xf32, #tpu.memory_space<vmem>>, vector<1x128xf32>
    %add3A_57 = vector.broadcast %get3A_56 : vector<1x128xf32> to vector<2000x128xf32>
    %add3A_58 = arith.addf %dot_general3A_53, %add3A_57 : vector<2000x128xf32>
    %gt3A_59 = arith.constant 0.000000e+00 : f32
    %gt3A_60 = vector.broadcast %gt3A_59 : f32 to vector<2000x128xf32>
    %gt3A_61 = arith.cmpf ogt, %add3A_58, %gt3A_60 : vector<2000x128xf32>
    %exp3A_62 = math.exp %add3A_58 : vector<2000x128xf32>
    %sub3A_63 = arith.constant 1.000000e+00 : f32
    %sub3A_64 = vector.broadcast %sub3A_63 : f32 to vector<2000x128xf32>
    %sub3A_65 = arith.subf %exp3A_62, %sub3A_64 : vector<2000x128xf32>
    %select_n3A_66 = arith.select %gt3A_61, %add3A_58, %sub3A_65 : vector<2000x128xi1>, vector<2000x128xf32>
    %get3A_67 = arith.constant 0 : index
    %get3A_68 = arith.constant 0 : index
    %get3A_69 = vector.load %arg10[%get3A_67, %get3A_68] : memref<128x128xf32, #tpu.memory_space<vmem>>, vector<128x128xf32>
    %dot_general3A_70 = arith.constant dense<0.000000e+00> : vector<2000x128xf32>
    %dot_general3A_71 = tpu.matmul %select_n3A_66, %get3A_69, %dot_general3A_70 {dimension_numbers = #tpu.dot_dimension_numbers<[1], [0], [0], [1], [0, 0, 1, 1], [], []>, transpose_lhs_hint = false} : vector<2000x128xf32>, vector<128x128xf32>, vector<2000x128xf32> -> vector<2000x128xf32>
    %get3A_72 = arith.constant 0 : index
    %get3A_73 = arith.constant 0 : index
    %get3A_74 = vector.load %arg11[%get3A_72, %get3A_73] : memref<1x128xf32, #tpu.memory_space<vmem>>, vector<1x128xf32>
    %add3A_75 = vector.broadcast %get3A_74 : vector<1x128xf32> to vector<2000x128xf32>
    %add3A_76 = arith.addf %dot_general3A_71, %add3A_75 : vector<2000x128xf32>
    %gt3A_77 = arith.constant 0.000000e+00 : f32
    %gt3A_78 = vector.broadcast %gt3A_77 : f32 to vector<2000x128xf32>
    %gt3A_79 = arith.cmpf ogt, %add3A_76, %gt3A_78 : vector<2000x128xf32>
    %exp3A_80 = math.exp %add3A_76 : vector<2000x128xf32>
    %sub3A_81 = arith.constant 1.000000e+00 : f32
    %sub3A_82 = vector.broadcast %sub3A_81 : f32 to vector<2000x128xf32>
    %sub3A_83 = arith.subf %exp3A_80, %sub3A_82 : vector<2000x128xf32>
    %select_n3A_84 = arith.select %gt3A_79, %add3A_76, %sub3A_83 : vector<2000x128xi1>, vector<2000x128xf32>
    %swap3A = arith.constant 0 : index
    %swap3A_85 = arith.constant 0 : index
    %swap3A_86 = vector.load %arg12[%swap3A, %swap3A_85] : memref<2000x128xf32, #tpu.memory_space<vmem>>, vector<2000x128xf32>
    tpu.vector_store %arg12[%swap3A, %swap3A_85], %select_n3A_84 {strides = array<i32>} : memref<2000x128xf32, #tpu.memory_space<vmem>>, vector<2000x128xf32>,
    return
  }
  func.func @transform_0(%arg0: i32) -> (i32, i32) {
    %c0_i32 = arith.constant 0 : i32
    %c0_i32_0 = arith.constant 0 : i32
    return %arg0, %c0_i32 : i32, i32
  }
  func.func @transform_1(%arg0: i32) -> (i32, i32, i32) {
    %c0_i32 = arith.constant 0 : i32
    %c0_i32_0 = arith.constant 0 : i32
    %c0_i32_1 = arith.constant 0 : i32
    return %c0_i32, %arg0, %c0_i32_0 : i32, i32, i32
  }
  func.func @transform_2(%arg0: i32) -> (i32, i32) {
    %c0_i32 = arith.constant 0 : i32
    %c0_i32_0 = arith.constant 0 : i32
    %c0_i32_1 = arith.constant 0 : i32
    return %c0_i32, %c0_i32_0 : i32, i32
  }
  func.func @transform_3(%arg0: i32) -> (i32, i32) {
    %c0_i32 = arith.constant 0 : i32
    %c0_i32_0 = arith.constant 0 : i32
    %c0_i32_1 = arith.constant 0 : i32
    return %c0_i32, %c0_i32_0 : i32, i32
  }
  func.func @transform_4(%arg0: i32) -> (i32, i32) {
    %c0_i32 = arith.constant 0 : i32
    %c0_i32_0 = arith.constant 0 : i32
    %c0_i32_1 = arith.constant 0 : i32
    return %c0_i32, %c0_i32_0 : i32, i32
  }
  func.func @transform_5(%arg0: i32) -> (i32, i32) {
    %c0_i32 = arith.constant 0 : i32
    %c0_i32_0 = arith.constant 0 : i32
    %c0_i32_1 = arith.constant 0 : i32
    return %c0_i32, %c0_i32_0 : i32, i32
  }
  func.func @transform_6(%arg0: i32) -> (i32, i32) {
    %c0_i32 = arith.constant 0 : i32
    %c0_i32_0 = arith.constant 0 : i32
    %c0_i32_1 = arith.constant 0 : i32
    return %c0_i32, %c0_i32_0 : i32, i32
  }
  func.func @transform_7(%arg0: i32) -> (i32, i32) {
    %c0_i32 = arith.constant 0 : i32
    %c0_i32_0 = arith.constant 0 : i32
    %c0_i32_1 = arith.constant 0 : i32
    return %c0_i32, %c0_i32_0 : i32, i32
  }
  func.func @transform_8(%arg0: i32) -> (i32, i32) {
    %c0_i32 = arith.constant 0 : i32
    %c0_i32_0 = arith.constant 0 : i32
    %c0_i32_1 = arith.constant 0 : i32
    return %c0_i32, %c0_i32_0 : i32, i32
  }
  func.func @transform_9(%arg0: i32) -> (i32, i32) {
    %c0_i32 = arith.constant 0 : i32
    %c0_i32_0 = arith.constant 0 : i32
    %c0_i32_1 = arith.constant 0 : i32
    return %c0_i32, %c0_i32_0 : i32, i32
  }
  func.func @transform_10(%arg0: i32) -> (i32, i32) {
    %c0_i32 = arith.constant 0 : i32
    %c0_i32_0 = arith.constant 0 : i32
    %c0_i32_1 = arith.constant 0 : i32
    return %c0_i32, %c0_i32_0 : i32, i32
  }
  func.func @transform_11(%arg0: i32) -> (i32, i32) {
    %c0_i32 = arith.constant 0 : i32
    %c0_i32_0 = arith.constant 0 : i32
    return %arg0, %c0_i32 : i32, i32
  }
}

module attributes {stable_mosaic.version = 14 : i64} {
  func.func @body(%arg0: i32, %arg1: memref<2000x128xf32, #tpu.memory_space<vmem>>, %arg2: memref<2000x128xf32, #tpu.memory_space<vmem>>, %arg3: memref<2x2000x128xf32, #tpu.memory_space<vmem>>, %arg4: memref<128x128xf32, #tpu.memory_space<vmem>>, %arg5: memref<1x128xf32, #tpu.memory_space<vmem>>, %arg6: memref<128x128xf32, #tpu.memory_space<vmem>>, %arg7: memref<128x128xf32, #tpu.memory_space<vmem>>, %arg8: memref<128x128xf32, #tpu.memory_space<vmem>>, %arg9: memref<1x128xf32, #tpu.memory_space<vmem>>, %arg10: memref<128x128xf32, #tpu.memory_space<vmem>>, %arg11: memref<1x128xf32, #tpu.memory_space<vmem>>, %arg12: memref<128x128xf32, #tpu.memory_space<vmem>>, %arg13: memref<1x128xf32, #tpu.memory_space<vmem>>, %arg14: memref<2000x128xf32, #tpu.memory_space<vmem>>) attributes {dimension_semantics = [#tpu.dimension_semantics<arbitrary>], iteration_bounds = array<i64: 5>, scalar_prefetch = 0 : i64, scratch_operands = 0 : i64, tpu.core_type = #tpu.core_type<tc>, window_params = [{transform_indices = @transform_0, window_bounds = array<i64: 2000, 128>}, {transform_indices = @transform_1, window_bounds = array<i64: 2000, 128>}, {transform_indices = @transform_2, window_bounds = array<i64: 2, 2000, 128>}, {pipeline_mode = #tpu.pipeline_mode<synchronous>, transform_indices = @transform_3, window_bounds = array<i64: 128, 128>}, {pipeline_mode = #tpu.pipeline_mode<synchronous>, transform_indices = @transform_4, window_bounds = array<i64: 1, 128>}, {pipeline_mode = #tpu.pipeline_mode<synchronous>, transform_indices = @transform_5, window_bounds = array<i64: 128, 128>}, {pipeline_mode = #tpu.pipeline_mode<synchronous>, transform_indices = @transform_6, window_bounds = array<i64: 128, 128>}, {pipeline_mode = #tpu.pipeline_mode<synchronous>, transform_indices = @transform_7, window_bounds = array<i64: 128, 128>}, {pipeline_mode = #tpu.pipeline_mode<synchronous>, transform_indices = @transform_8, window_bounds = array<i64: 1, 128>}, {pipeline_mode = #tpu.pipeline_mode<synchronous>, transform_indices = @transform_9, window_bounds = array<i64: 128, 128>}, {pipeline_mode = #tpu.pipeline_mode<synchronous>, transform_indices = @transform_10, window_bounds = array<i64: 1, 128>}, {pipeline_mode = #tpu.pipeline_mode<synchronous>, transform_indices = @transform_11, window_bounds = array<i64: 128, 128>}, {pipeline_mode = #tpu.pipeline_mode<synchronous>, transform_indices = @transform_12, window_bounds = array<i64: 1, 128>}, {transform_indices = @transform_13, window_bounds = array<i64: 2000, 128>}]} {
    %get3A = arith.constant 0 : index
    %get3A_0 = arith.constant 0 : index
    %get3A_1 = arith.constant 0 : index
    %get3A_2 = vector.load %arg3[%get3A, %get3A_0, %get3A_1] : memref<2x2000x128xf32, #tpu.memory_space<vmem>>, vector<1x2000x128xf32>
    %get3A_3 = vector.shape_cast %get3A_2 : vector<1x2000x128xf32> to vector<2000x128xf32>
    %get3A_4 = arith.constant 1 : index
    %get3A_5 = arith.constant 0 : index
    %get3A_6 = arith.constant 0 : index
    %get3A_7 = vector.load %arg3[%get3A_4, %get3A_5, %get3A_6] : memref<2x2000x128xf32, #tpu.memory_space<vmem>>, vector<1x2000x128xf32>
    %get3A_8 = vector.shape_cast %get3A_7 : vector<1x2000x128xf32> to vector<2000x128xf32>
    %add3A = arith.addf %get3A_3, %get3A_8 : vector<2000x128xf32>
    %get3A_9 = arith.constant 0 : index
    %get3A_10 = arith.constant 0 : index
    %get3A_11 = vector.load %arg4[%get3A_9, %get3A_10] : memref<128x128xf32, #tpu.memory_space<vmem>>, vector<128x128xf32>
    %dot_general3A = arith.constant dense<0.000000e+00> : vector<2000x128xf32>
    %dot_general3A_12 = tpu.matmul %add3A, %get3A_11, %dot_general3A {dimension_numbers = #tpu.dot_dimension_numbers<[1], [0], [0], [1], [0, 0, 1, 1], [], []>, transpose_lhs_hint = false} : vector<2000x128xf32>, vector<128x128xf32>, vector<2000x128xf32> -> vector<2000x128xf32>
    %get3A_13 = arith.constant 0 : index
    %get3A_14 = arith.constant 0 : index
    %get3A_15 = vector.load %arg5[%get3A_13, %get3A_14] : memref<1x128xf32, #tpu.memory_space<vmem>>, vector<1x128xf32>
    %add3A_16 = vector.broadcast %get3A_15 : vector<1x128xf32> to vector<2000x128xf32>
    %add3A_17 = arith.addf %dot_general3A_12, %add3A_16 : vector<2000x128xf32>
    %get3A_18 = arith.constant 0 : index
    %get3A_19 = arith.constant 0 : index
    %get3A_20 = vector.load %arg2[%get3A_18, %get3A_19] : memref<2000x128xf32, #tpu.memory_space<vmem>>, vector<2000x128xf32>
    %get3A_21 = arith.constant 0 : index
    %get3A_22 = arith.constant 0 : index
    %get3A_23 = vector.load %arg6[%get3A_21, %get3A_22] : memref<128x128xf32, #tpu.memory_space<vmem>>, vector<128x128xf32>
    %dot_general3A_24 = arith.constant dense<0.000000e+00> : vector<2000x128xf32>
    %dot_general3A_25 = tpu.matmul %get3A_20, %get3A_23, %dot_general3A_24 {dimension_numbers = #tpu.dot_dimension_numbers<[1], [0], [0], [1], [0, 0, 1, 1], [], []>, transpose_lhs_hint = false} : vector<2000x128xf32>, vector<128x128xf32>, vector<2000x128xf32> -> vector<2000x128xf32>
    %add3A_26 = arith.addf %add3A_17, %dot_general3A_25 : vector<2000x128xf32>
    %get3A_27 = arith.constant 0 : index
    %get3A_28 = arith.constant 0 : index
    %get3A_29 = vector.load %arg1[%get3A_27, %get3A_28] : memref<2000x128xf32, #tpu.memory_space<vmem>>, vector<2000x128xf32>
    %get3A_30 = arith.constant 0 : index
    %get3A_31 = arith.constant 0 : index
    %get3A_32 = vector.load %arg7[%get3A_30, %get3A_31] : memref<128x128xf32, #tpu.memory_space<vmem>>, vector<128x128xf32>
    %dot_general3A_33 = arith.constant dense<0.000000e+00> : vector<2000x128xf32>
    %dot_general3A_34 = tpu.matmul %get3A_29, %get3A_32, %dot_general3A_33 {dimension_numbers = #tpu.dot_dimension_numbers<[1], [0], [0], [1], [0, 0, 1, 1], [], []>, transpose_lhs_hint = false} : vector<2000x128xf32>, vector<128x128xf32>, vector<2000x128xf32> -> vector<2000x128xf32>
    %get3A_35 = arith.constant 0 : index
    %get3A_36 = arith.constant 0 : index
    %get3A_37 = vector.load %arg8[%get3A_35, %get3A_36] : memref<128x128xf32, #tpu.memory_space<vmem>>, vector<128x128xf32>
    %dot_general3A_38 = arith.constant dense<0.000000e+00> : vector<2000x128xf32>
    %dot_general3A_39 = tpu.matmul %add3A_26, %get3A_37, %dot_general3A_38 {dimension_numbers = #tpu.dot_dimension_numbers<[1], [0], [0], [1], [0, 0, 1, 1], [], []>, transpose_lhs_hint = false} : vector<2000x128xf32>, vector<128x128xf32>, vector<2000x128xf32> -> vector<2000x128xf32>
    %add3A_40 = arith.addf %dot_general3A_34, %dot_general3A_39 : vector<2000x128xf32>
    %get3A_41 = arith.constant 0 : index
    %get3A_42 = arith.constant 0 : index
    %get3A_43 = vector.load %arg9[%get3A_41, %get3A_42] : memref<1x128xf32, #tpu.memory_space<vmem>>, vector<1x128xf32>
    %add3A_44 = vector.broadcast %get3A_43 : vector<1x128xf32> to vector<2000x128xf32>
    %add3A_45 = arith.addf %add3A_40, %add3A_44 : vector<2000x128xf32>
    %gt3A = arith.constant 0.000000e+00 : f32
    %gt3A_46 = vector.broadcast %gt3A : f32 to vector<2000x128xf32>
    %gt3A_47 = arith.cmpf ogt, %add3A_45, %gt3A_46 : vector<2000x128xf32>
    %exp3A = math.exp %add3A_45 : vector<2000x128xf32>
    %sub3A = arith.constant 1.000000e+00 : f32
    %sub3A_48 = vector.broadcast %sub3A : f32 to vector<2000x128xf32>
    %sub3A_49 = arith.subf %exp3A, %sub3A_48 : vector<2000x128xf32>
    %select_n3A = arith.select %gt3A_47, %add3A_45, %sub3A_49 : vector<2000x128xi1>, vector<2000x128xf32>
    %get3A_50 = arith.constant 0 : index
    %get3A_51 = arith.constant 0 : index
    %get3A_52 = vector.load %arg10[%get3A_50, %get3A_51] : memref<128x128xf32, #tpu.memory_space<vmem>>, vector<128x128xf32>
    %dot_general3A_53 = arith.constant dense<0.000000e+00> : vector<2000x128xf32>
    %dot_general3A_54 = tpu.matmul %select_n3A, %get3A_52, %dot_general3A_53 {dimension_numbers = #tpu.dot_dimension_numbers<[1], [0], [0], [1], [0, 0, 1, 1], [], []>, transpose_lhs_hint = false} : vector<2000x128xf32>, vector<128x128xf32>, vector<2000x128xf32> -> vector<2000x128xf32>
    %get3A_55 = arith.constant 0 : index
    %get3A_56 = arith.constant 0 : index
    %get3A_57 = vector.load %arg11[%get3A_55, %get3A_56] : memref<1x128xf32, #tpu.memory_space<vmem>>, vector<1x128xf32>
    %add3A_58 = vector.broadcast %get3A_57 : vector<1x128xf32> to vector<2000x128xf32>
    %add3A_59 = arith.addf %dot_general3A_54, %add3A_58 : vector<2000x128xf32>
    %gt3A_60 = arith.constant 0.000000e+00 : f32
    %gt3A_61 = vector.broadcast %gt3A_60 : f32 to vector<2000x128xf32>
    %gt3A_62 = arith.cmpf ogt, %add3A_59, %gt3A_61 : vector<2000x128xf32>
    %exp3A_63 = math.exp %add3A_59 : vector<2000x128xf32>
    %sub3A_64 = arith.constant 1.000000e+00 : f32
    %sub3A_65 = vector.broadcast %sub3A_64 : f32 to vector<2000x128xf32>
    %sub3A_66 = arith.subf %exp3A_63, %sub3A_65 : vector<2000x128xf32>
    %select_n3A_67 = arith.select %gt3A_62, %add3A_59, %sub3A_66 : vector<2000x128xi1>, vector<2000x128xf32>
    %get3A_68 = arith.constant 0 : index
    %get3A_69 = arith.constant 0 : index
    %get3A_70 = vector.load %arg12[%get3A_68, %get3A_69] : memref<128x128xf32, #tpu.memory_space<vmem>>, vector<128x128xf32>
    %dot_general3A_71 = arith.constant dense<0.000000e+00> : vector<2000x128xf32>
    %dot_general3A_72 = tpu.matmul %select_n3A_67, %get3A_70, %dot_general3A_71 {dimension_numbers = #tpu.dot_dimension_numbers<[1], [0], [0], [1], [0, 0, 1, 1], [], []>, transpose_lhs_hint = false} : vector<2000x128xf32>, vector<128x128xf32>, vector<2000x128xf32> -> vector<2000x128xf32>
    %get3A_73 = arith.constant 0 : index
    %get3A_74 = arith.constant 0 : index
    %get3A_75 = vector.load %arg13[%get3A_73, %get3A_74] : memref<1x128xf32, #tpu.memory_space<vmem>>, vector<1x128xf32>
    %add3A_76 = vector.broadcast %get3A_75 : vector<1x128xf32> to vector<2000x128xf32>
    %add3A_77 = arith.addf %dot_general3A_72, %add3A_76 : vector<2000x128xf32>
    %swap3A = arith.constant 0 : index
    %swap3A_78 = arith.constant 0 : index
    %swap3A_79 = vector.load %arg14[%swap3A, %swap3A_78] : memref<2000x128xf32, #tpu.memory_space<vmem>>, vector<2000x128xf32>
    tpu.vector_store %arg14[%swap3A, %swap3A_78], %add3A_77 {strides = array<i32>} : memref<2000x128xf32, #tpu.memory_space<vmem>>, vector<2000x128xf32>,
    return
  }
  func.func @transform_0(%arg0: i32) -> (i32, i32) {
    %c0_i32 = arith.constant 0 : i32
    %c0_i32_0 = arith.constant 0 : i32
    return %arg0, %c0_i32 : i32, i32
  }
  func.func @transform_1(%arg0: i32) -> (i32, i32) {
    %c0_i32 = arith.constant 0 : i32
    %c0_i32_0 = arith.constant 0 : i32
    return %arg0, %c0_i32 : i32, i32
  }
  func.func @transform_2(%arg0: i32) -> (i32, i32, i32) {
    %c0_i32 = arith.constant 0 : i32
    %c0_i32_0 = arith.constant 0 : i32
    %c0_i32_1 = arith.constant 0 : i32
    return %c0_i32, %arg0, %c0_i32_0 : i32, i32, i32
  }
  func.func @transform_3(%arg0: i32) -> (i32, i32) {
    %c0_i32 = arith.constant 0 : i32
    %c0_i32_0 = arith.constant 0 : i32
    %c0_i32_1 = arith.constant 0 : i32
    return %c0_i32, %c0_i32_0 : i32, i32
  }
  func.func @transform_4(%arg0: i32) -> (i32, i32) {
    %c0_i32 = arith.constant 0 : i32
    %c0_i32_0 = arith.constant 0 : i32
    %c0_i32_1 = arith.constant 0 : i32
    return %c0_i32, %c0_i32_0 : i32, i32
  }
  func.func @transform_5(%arg0: i32) -> (i32, i32) {
    %c0_i32 = arith.constant 0 : i32
    %c0_i32_0 = arith.constant 0 : i32
    %c0_i32_1 = arith.constant 0 : i32
    return %c0_i32, %c0_i32_0 : i32, i32
  }
  func.func @transform_6(%arg0: i32) -> (i32, i32) {
    %c0_i32 = arith.constant 0 : i32
    %c0_i32_0 = arith.constant 0 : i32
    %c0_i32_1 = arith.constant 0 : i32
    return %c0_i32, %c0_i32_0 : i32, i32
  }
  func.func @transform_7(%arg0: i32) -> (i32, i32) {
    %c0_i32 = arith.constant 0 : i32
    %c0_i32_0 = arith.constant 0 : i32
    %c0_i32_1 = arith.constant 0 : i32
    return %c0_i32, %c0_i32_0 : i32, i32
  }
  func.func @transform_8(%arg0: i32) -> (i32, i32) {
    %c0_i32 = arith.constant 0 : i32
    %c0_i32_0 = arith.constant 0 : i32
    %c0_i32_1 = arith.constant 0 : i32
    return %c0_i32, %c0_i32_0 : i32, i32
  }
  func.func @transform_9(%arg0: i32) -> (i32, i32) {
    %c0_i32 = arith.constant 0 : i32
    %c0_i32_0 = arith.constant 0 : i32
    %c0_i32_1 = arith.constant 0 : i32
    return %c0_i32, %c0_i32_0 : i32, i32
  }
  func.func @transform_10(%arg0: i32) -> (i32, i32) {
    %c0_i32 = arith.constant 0 : i32
    %c0_i32_0 = arith.constant 0 : i32
    %c0_i32_1 = arith.constant 0 : i32
    return %c0_i32, %c0_i32_0 : i32, i32
  }
  func.func @transform_11(%arg0: i32) -> (i32, i32) {
    %c0_i32 = arith.constant 0 : i32
    %c0_i32_0 = arith.constant 0 : i32
    %c0_i32_1 = arith.constant 0 : i32
    return %c0_i32, %c0_i32_0 : i32, i32
  }
  func.func @transform_12(%arg0: i32) -> (i32, i32) {
    %c0_i32 = arith.constant 0 : i32
    %c0_i32_0 = arith.constant 0 : i32
    %c0_i32_1 = arith.constant 0 : i32
    return %c0_i32, %c0_i32_0 : i32, i32
  }
  func.func @transform_13(%arg0: i32) -> (i32, i32) {
    %c0_i32 = arith.constant 0 : i32
    %c0_i32_0 = arith.constant 0 : i32
    return %arg0, %c0_i32 : i32, i32
  }
}

</mosaic_0001>

<sc_bundles>
// kernel: kernel.10.cloned.1.call-start
scs
__scs_entry_jumppad:
0x0: {  	(pc) =	sbr.rel $0x88, $3  }
0x1: {  	(tag) =	ssettag $0x0;
	lr =	simm.s32 $0x1  }
0x2: {  	[smem:$0x3F89] =	sst lr;
	_ =	strace $0xD0000000  }
0x3: {  	_ = 	snop  }
0x4: {  	_ = 	snop  }
0x5: {  	_ = 	snop  }
0x6: {  	_ = 	snop  }
0x7: {  	_ = 	snop  }
__scs_overlays_trampoline_lowered:
0x8: {  	[smem:$0x3F98] =	sst s0  }
0x9: {  	[smem:$0x3F99] =	sst s1  }
0xa: {  	[smem:$0x3F9A] =	sst s2  }
0xb: {  	[smem:$0x3F9B] =	sst s3  }
0xc: {  	[smem:$0x3F9C] =	sst s4  }
0xd: {  	[smem:$0x3F9D] =	sst s5  }
0xe: {  	[smem:$0x3F9E] =	sst s6  }
0xf: {  	[smem:$0x3F9F] =	sst s7  }
0x10: {  	[smem:$0x3FA0] =	sst s8  }
0x11: {  	[smem:$0x3FA1] =	sst s9;
	s0 =	simm.s32 @!p0 $0x0  }
0x12: {  	s1 =	sld [smem:$0x3F87];
	s0 =	simm.s32 @p0 $0x1  }
0x13: {  	[smem:$0x3FA2] =	sst s0;
	s0 =	simm.s32 @!p1 $0x0  }
0x14: {  	s2 =	sld [smem:$0x3F86];
	s0 =	simm.s32 @p1 $0x1  }
0x15: {  	[smem:$0x3FA3] =	sst s0;
	s0 =	simm.s32 @!p2 $0x0  }
0x16: {  	s3 =	sld [smem:$0x3FDB];
	s0 =	simm.s32 @p2 $0x1  }
0x17: {  	s4 =	simm.s32 $0x1BF5;
	[smem:$0x3FA5] =	sst s0  }
0x18: {  	s0 =	sld [smem:$0x3F88];
	_ =	swait.ge [sflag:s4], $0x0  }
0x19: {  	s7 =	sld [smem:$0x3F89]  }
0x1a: {  	s8 =	sadd.s32 $0xFFFFE003, lr  }
0x1b: {  	s9 =	sadd.s32 $0xFFFFFEF7, lr;
	s5 =	simm.s32 $0xFFFFFFFF;
	p2 =	slt.u32 s8, $0xFFFFF086  }
0x1c: {  	p1 =	slt.u32 s9, $0xF7A;
	s5 =	simm.s32 @!p2 $0x0  }
0x1d: {  	s5 =	simm.s32 @p1 $0x1;
	p0 =	seq.s32 s7, s2  }
0x1e: {  	s7 =	smul.u32 @!p0 $0xF7A, s2;
	p2 =	seq.s32 @!p0 s5, $0x0  }
0x1f: {  	s9 =	smul.u32 $0xF7A, s1;
	s8 =	simm.s32 @!p0 $0x1BF5;
	p2 =	por !p2, p0  }
0x20: {  	[sflag:s8] =	ssyncset.s32 @!p0 $0xFFFFF086;
	s6 =	sadd.s32 @!p0 s3, s7;
	s7 =	simm.s32 @!p0 $0x108  }
0x21: {  	s3 =	sadd.s32 s3, s9;
	s6 =	sadd.s32 @!p0 $0x88, s6;
	s7 =	simm.s32 @p2 $0x1082  }
0x22: {  	[simem:s7], [sflag:s8] =	dma.local @!p0 [hbm:s6], $0xF7A  }
0x23: {  	s9 =	sor.u32 $0xD0000000, s2;
	s6 =	simm.s32 $0x108;
	_ =	swait.ge @!p0 [sflag:s8], $0x0  }
0x24: {  	s3 =	sadd.s32 $0x88, s3;
	s6 =	simm.s32 @!p1 $0x1082;
	[sflag:s4] =	ssyncset.s32 $0xFFFFF086  }
0x25: {  	[simem:s6], [sflag:s4] =	dma.local [hbm:s3], $0xF7A  }
0x26: {  	[smem:$0x3F89] =	sst s1;
	(tag) =	ssettag s2;
	_ =	strace s9  }
0x27: {  	s1 =	sld [smem:$0x3F99]  }
0x28: {  	s2 =	sld [smem:$0x3F9A]  }
0x29: {  	s4 =	sld [smem:$0x3F9C]  }
0x2a: {  	p0 =	seq.s32 s5, $0x0;
	s5 =	sld [smem:$0x3F9D]  }
0x2b: {  	s6 =	sld [smem:$0x3F9E]  }
0x2c: {  	s7 =	sld [smem:$0x3F9F]  }
0x2d: {  	s3 =	simm.s32 $0x108;
	s8 =	sld [smem:$0x3FA0]  }
0x2e: {  	s3 =	simm.s32 @!p0 $0x1082;
	s9 =	sld [smem:$0x3FA1]  }
0x2f: {  	lr =	sadd.s32 s0, s3;
	s0 =	sld [smem:$0x3F98]  }
0x30: {  	s3 =	sld [smem:$0x3F9B]  }
0x31: {  	[smem:$0x3FA4] =	sst s10  }
0x32: {  	s10 =	sld [smem:$0x3FA2];
	_ =	sdelay $0x3  }
0x33: {  	p0 =	seq.s32 s10, $0x1;
	s10 =	sld [smem:$0x3FA4];
	_ =	sdelay $0x3  }
0x34: {  	[smem:$0x3FA4] =	sst s10  }
0x35: {  	s10 =	sld [smem:$0x3FA3];
	_ =	sdelay $0x3  }
0x36: {  	p1 =	seq.s32 s10, $0x1;
	s10 =	sld [smem:$0x3FA4];
	_ =	sdelay $0x3  }
0x37: {  	[smem:$0x3FA4] =	sst s10  }
0x38: {  	s10 =	sld [smem:$0x3FA5]  }
0x39: {  	_ = 	snop;
	(pc) =	sbr.ind lr, $3  }
0x3a: {  	_ = 	snop  }
0x3b: {  	_ = 	snop  }
0x3c: {  	p2 =	seq.s32 s10, $0x1;
	s10 =	sld [smem:$0x3FA4]  }
0x3d: {  	_ =	shalt  }
0x3e: {  	_ =	shalt  }
0x3f: {  	_ =	shalt  }
0x40: {  	_ =	shalt  }
0x41: {  	_ =	shalt  }
0x42: {  	_ =	shalt  }
0x43: {  	_ =	shalt  }
0x44: {  	_ =	shalt  }
0x45: {  	_ =	shalt  }
0x46: {  	_ =	shalt  }
0x47: {  	_ =	shalt  }
0x48: {  	_ =	shalt  }
0x49: {  	_ =	shalt  }
0x4a: {  	_ =	shalt  }
0x4b: {  	_ =	shalt  }
0x4c: {  	_ =	shalt  }
0x4d: {  	_ =	shalt  }
0x4e: {  	_ =	shalt  }
0x4f: {  	_ =	shalt  }
0x50: {  	_ =	shalt  }
0x51: {  	_ =	shalt  }
0x52: {  	_ =	shalt  }
0x53: {  	_ =	shalt  }
0x54: {  	_ =	shalt  }
0x55: {  	_ =	shalt  }
0x56: {  	_ =	shalt  }
0x57: {  	_ =	shalt  }
0x58: {  	_ =	shalt  }
0x59: {  	_ =	shalt  }
0x5a: {  	_ =	shalt  }
0x5b: {  	_ =	shalt  }
0x5c: {  	_ =	shalt  }
0x5d: {  	_ =	shalt  }
0x5e: {  	_ =	shalt  }
0x5f: {  	_ =	shalt  }
0x60: {  	_ =	shalt  }
0x61: {  	_ =	shalt  }
0x62: {  	_ =	shalt  }
0x63: {  	_ =	shalt  }
0x64: {  	_ =	shalt  }
0x65: {  	_ =	shalt  }
0x66: {  	_ =	shalt  }
0x67: {  	_ =	shalt  }
0x68: {  	_ =	shalt  }
0x69: {  	_ =	shalt  }
0x6a: {  	_ =	shalt  }
0x6b: {  	_ =	shalt  }
0x6c: {  	_ =	shalt  }
0x6d: {  	_ =	shalt  }
0x6e: {  	_ =	shalt  }
0x6f: {  	_ =	shalt  }
0x70: {  	_ =	shalt  }
0x71: {  	_ =	shalt  }
0x72: {  	_ =	shalt  }
0x73: {  	_ =	shalt  }
0x74: {  	_ =	shalt  }
0x75: {  	_ =	shalt  }
0x76: {  	_ =	shalt  }
0x77: {  	_ =	shalt  }
0x78: {  	_ =	shalt  }
0x79: {  	_ =	shalt  }
0x7a: {  	_ =	shalt  }
0x7b: {  	_ =	shalt  }
0x7c: {  	_ =	shalt  }
0x7d: {  	_ =	shalt  }
0x7e: {  	_ =	shalt  }
0x7f: {  	_ =	shalt  }
0x80: {  	_ =	shalt  }
0x81: {  	_ =	shalt  }
0x82: {  	_ =	shalt  }
0x83: {  	_ =	shalt  }
0x84: {  	_ =	shalt  }
0x85: {  	_ =	shalt  }
0x86: {  	_ =	shalt  }
0x87: {  	_ =	shalt  }
.Lfunc_end0:
.L_simem_size_0:
called_computation.1_lowered:
.L_overlay_start_0:
0x88: {  	s2 =	sld [smem:$0x3FD9]  }
0x89: {  	s3 =	sld [smem:$0x3FFE];
	_ =	sdelay $0x1  }
0x8a: {  	s1 =	srdreg.scid  }
0x8b: {  	s0 =	sand.u32 $0x1, s1  }
0x8c: {  	s16 =	sshll.u32 s0, $0xA;
	s2 =	sadd.s32 s3, s2  }
0x8d: {  	s2 =	sadd.s32 s2, s16  }
0x8e: {  	[smem:$0x3FB0] =	sst s2  }
0x8f: {  	_ = 	snop  }
0x90: {  	(tm) =	ssettm $0x1  }
0x91: {  	s17 =	sld [smem:$0x3FFB];
	_ =	sdelay $0x3  }
0x92: {  	_ =	strace s17  }
0x93: {  	s2 =	sld [smem:$0x3FFC];
	_ =	sdelay $0x3  }
0x94: {  	_ =	strace s2  }
0x95: {  	s2 =	sld [smem:$0x3FFD];
	_ =	sdelay $0x3  }
0x96: {  	_ =	strace s2  }
0x97: {  	_ =	strace $0x8FFFFFFF  }
0x98: {  	s18 =	sld [smem:$0x3FDB];
	_ =	sdelay $0x1  }
0x99: {  	s19 =	simm.s32 $_scs_section_size  }
0x9a: {  	s4 =	simm.s32 $_size__tile_overlayer_lowered;
	s5 =	simm.s32 $_tile_overlayer_lowered  }
0x9b: {  	s22 =	simm.s32 $0x1BFF;
	s21 =	sshll.u32 s5, $0x1;
	s2 =	sadd.s32 s19, s18  }
0x9c: {  	s6 =	simm.s32 $0x0;
	s20 =	sshll.u32 s4, $0x1;
	s4 =	sadd.s32 s21, s2  }
0x9d: {  	[timem:s6], [sflag:s22] =	dma.local [hbm:s4], s20  }
0x9e: {  	_ =	swait.ge [sflag:s22], s20  }
0x9f: {  	s3 =	ssub.s32 $0x0, s20;
	[sflag:s22] =	ssyncset.done $0x0  }
0xa0: {  	[sflag:s22] =	ssyncadd.s32 s3;
	_ =	sdelay $0x1  }
0xa1: {  	s23 =	simm.s32 $0x1B8B  }
0xa2: {  	_ =	swait.ge [sflag:s23], $0x1  }
0xa3: {  	[sflag:s23] =	ssyncset.done $0x0  }
0xa4: {  	s25 =	simm.s32 $0x1B8E;
	s24 =	sld [smem:$0x3FFE];
	[sflag:s23] =	ssyncadd.s32 $0xFFFFFFFF  }
0xa5: {  	s26 =	simm.s32 $execute0_lowered;
	[smem:$0x3FD2] =	sst s25  }
0xa6: {  	s4 =	sshll.u32 s26, $0x1;
	_ =	strace $0x80000049;
	[dreg:$0x1] =	wrdreg $0xFFFFFFFF  }
0xa7: {  	s28 =	simm.s32 $_size_execute0_lowered;
	s2 =	sadd.s32 s2, s4;
	[dreg:$0x0] =	wrdreg $0x0  }
0xa8: {  	s4 =	sshll.u32 s28, $0x1;
	[dreg:$0x2] =	wrdreg s2  }
0xa9: {  	[dreg:$0x3] =	wrdreg s4  }
0xaa: {  	[dreg:$0x4] =	wrdreg $0xC0  }
0xab: {  	_ =	task [dreg:s6], $0x5FFFF  }
0xac: {  	[dreg:$0x1] =	wrdreg $0xFFFFFFFF  }
0xad: {  	[dreg:$0x0] =	wrdreg $0x60  }
0xae: {  	[dreg:$0x2] =	wrdreg s24  }
0xaf: {  	[dreg:$0x3] =	wrdreg $0xA8000  }
0xb0: {  	[dreg:$0x4] =	wrdreg $0x9  }
0xb1: {  	_ =	task.clear_ibuf [dreg:s6], $0x5FFFF;
	_ =	strace $0x90000049  }
0xb2: {  	s29 =	simm.s32 $0x9;
	_ =	strace $0x8000004B  }
0xb3: {  	_ =	swait.ge [sflag:s29], $0x1  }
0xb4: {  	[sflag:s29] =	ssyncadd.s32 $0xFFFFFFFF  }
0xb5: {  	_ =	strace $0x9000004B  }
0xb6: {  	_ =	sfence  }
0xb7: {  	s30 =	sld [smem:$0x0];
	_ =	sdelay $0x2  }
0xb8: {  	s31 =	sshll.u32 s1, $0xD;
	s1 =	sshrl.u32 s1, $0x2  }
0xb9: {  	s3 =	sand.u32 $0x4000, s31;
	s1 =	sadd.s32 s1, s30  }
0xba: {  	s0 =	sor.u32 s3, s0;
	s1 =	sshll.u32 s1, $0x11  }
0xbb: {  	s0 =	sor.u32 s1, s0  }
0xbc: {  	s0 =	sadd.s32 $0x8F2B, s0  }
0xbd: {  	[sflag:s0] =	ssyncadd.remote.s32 $0x1  }
0xbe: {  	_ =	sfence.sel $0xFFFF  }
0xbf: {  	[dreg:$0x0] =	wrdreg $0xFFFFFFFF;
	(pc) =	sbr.abs _section_cstart, $3  }
0xc0: {  	[dreg:$0x1] =	wrdreg $0xFFFFFFFF  }
0xc1: {  	_ =	task.clear_ibuf [dreg:s6], $0x2FFFF;
	_ =	strace $0x9FFFFFFF  }
0xc2: {  	(tm) =	ssettm $0x7FFFFFFF  }
0xc3: {  	_ =	shalt  }
tec
execute0_lowered:
.L_overlay_start_1:
0x0: {  	(tag) =	ssettag $0x1  }
0x1: {  	s0 =	srdreg.scid;
	s6 =	rddreg [dreg:$0x0]  }
0x2: {  	s2 =	rddreg [dreg:$0x1];
	s3 =	simm.s32 $0x0;
	s15 =	simm.s32 $0x6800  }
0x3: {  	s16 =	simm.s32 $0x1;
	s9 =	sand.u32 $0x1, s0;
	s0 =	stileid.u32  }
0x4: {  	s17 =	simm.s32 $0x0;
	[smem:$0x7FF] =	sst s3;
	s7 =	smul.u32 $0x13C000, s9  }
0x5: {  	s4 =	sadd.s32 $0x2C00, s6;
	s1 =	sshll.u32 s9, $0x4;
	s8 =	smul.u32 $0x13C00, s0  }
0x6: {  	s28 =	ssub.s32 $0x2, s9;
	s11 =	smul.u32 $0x4F000, s0;
	s31 =	sshll.u32 s0, $0x6  }
0x7: {  	p0 =	seq.s32 s9, $0x0;
	s9 =	simm.s32 $0x67;
	s1 =	sor.u32 s0, s1  }
0x8: {  	s29 =	sshrl.u32 s28, $0x1;
	s9 =	simm.s32 @!p0 $0x37;
	s5 =	smul.u32 $0x680, s1  }
0x9: {  	s1 =	rddreg [dreg:$0x2];
	_ =	strace $0x8000004A;
	s26 =	sadd.s32 s8, s7  }
0xa: {  	s13 =	ssub.s32 s28, s29;
	s30 =	sshrl.u32 s11, $0x2;
	s7 =	sshrl.u32 s26, $0x3  }
0xb: {  	s14 =	sadd.s32 s30, s2;
	s11 =	smax.u32 s13, $0x1;
	s13 =	simm.s32 $0x2  }
0xc: {  	s10 =	sadd.s32 s5, s6;
	s5 =	sadd.s32 $0x43E00, s6;
	s12 =	sadd.s32 s7, s6  }
0xd: {  	s6 =	sor.u32 $0x1C02, s31;
	s7 =	sadd.s32 $0x36E00, s10;
	s8 =	sadd.s32 $0x29E00, s10  }
0xe: {  	s10 =	sadd.s32 $0x46600, s12;
	s12 =	sshrl.u32 s14, $0x3;
	s14 =	simm.s32 $0x80  }
.LBB2_1:
0xf: {  	[spmem:s12], [sflag:s6] =	dma.local [hbm:s5], $0x2780  }
0x10: {  	_ =	swait.ge [sflag:s13], $0x2780  }
0x11: {  	[sflag:s13] =	ssyncset.done $0x0  }
0x12: {  	[sflag:s13] =	ssyncadd.s32 $0xFFFFD880  }
0x13: {  	[tilespmem:s3], [sflag:$0x2] =	stream.linear.gather [hbm4b:s7+s3], $0x3380, $0x38;
	[tilespmem:$0x1E400] =	vst v63  }
0x14: {  	_ =	swait.ge [sflag:s13], $0x3380  }
0x15: {  	[sflag:s13] =	ssyncset.done $0x0  }
0x16: {  	s18 =	simm.s32 $0x3400;
	[sflag:s13] =	ssyncadd.s32 $0xFFFFCC80  }
0x17: {  	[tilespmem:s18], [sflag:$0x2] =	stream.linear.gather [hbm4b:s8+s3], $0x3380, $0x38;
	[tilespmem:$0x1E400] =	vst v63  }
0x18: {  	_ =	swait.ge [sflag:s13], $0x3380  }
0x19: {  	[sflag:s13] =	ssyncset.done $0x0  }
0x1a: {  	[sflag:s13] =	ssyncadd.s32 $0xFFFFCC80  }
0x1b: {  	[bflag:$0x0] =	sbarrier.arrive $0xFFFF  }
0x1c: {  	[tilespmem:s15], [sflag:$0x1] =	stream.indirect.gather [hbm4b:s4+s14], $0x80, s3, s14, $0xb8;
	[tilespmem:$0x1E400] =	vst v63  }
0x1d: {  	p0 =	sne.s32 s9, $0x1;
	_ =	swait.ge [sflag:s16], $0x4000  }
.Ltmp0:
0x1e: {  	[sflag:s16] =	ssyncset.done $0x0;
	(pc) =	sbr.rel @!p0 .LBB2_3-.Ltmp0, $4  }
0x1f: {  	[sflag:s16] =	ssyncadd.s32 $0xFFFFC000  }
0x20: {  	[spmem:s2] =	stream.indirect.scatter.add.f32 [tilespmem:s15], [sflag:$0x2], $0x80, s18, s14, $0xb8;
	[tilespmem:$0x1E400] =	vst v63  }
0x21: {  	_ =	swait.ge [sflag:s13], $0x4000  }
0x22: {  	s19 =	sadd.s32 $0xFFFFFFFF, s9;
	s20 =	simm.s32 $0x0;
	[sflag:s13] =	ssyncset.done $0x0  }
.LBB2_2:
0x23: {  	[sflag:s13] =	ssyncadd.s32 $0xFFFFC000;
	s20 =	sadd.s32 $0x80, s20;
	s18 =	sadd.s32 $0x80, s18  }
0x24: {  	[tilespmem:s15], [sflag:$0x1] =	stream.indirect.gather [hbm4b:s4+s14], $0x80, s20, s14, $0xb8;
	[tilespmem:$0x1E400] =	vst v63  }
0x25: {  	p0 =	sne.s32 s19, $0x1;
	s19 =	sadd.s32 $0xFFFFFFFF, s19;
	_ =	swait.ge [sflag:s16], $0x4000  }
.Ltmp1:
0x26: {  	[sflag:s16] =	ssyncset.done $0x0;
	(pc) =	sbr.rel @p0 .LBB2_2-.Ltmp1, $4  }
0x27: {  	[sflag:s16] =	ssyncadd.s32 $0xFFFFC000  }
0x28: {  	[spmem:s2] =	stream.indirect.scatter.add.f32 [tilespmem:s15], [sflag:$0x2], $0x80, s18, s14, $0xb8;
	[tilespmem:$0x1E400] =	vst v63  }
0x29: {  	_ =	swait.ge [sflag:s13], $0x4000  }
0x2a: {  	[sflag:s13] =	ssyncset.done $0x0  }
.LBB2_3:
0x2b: {  	s17 =	sadd.s32 $0x1, s17  }
0x2c: {  	[sflag:s13] =	ssyncadd.s32 $0xFFFFC000;
	p0 =	sne.s32 s17, s11  }
.Ltmp2:
0x2d: {  	[bflag:$0x0] =	sbarrier.arrive $0xFFFF;
	(pc) =	sbr.rel @p0 .LBB2_1-.Ltmp2, $4  }
0x2e: {  	[hbm:s10], [sflag:s6] =	dma.local [spmem:s12], $0x2780  }
0x2f: {  	_ =	swait.ge [sflag:s13], $0x2780  }
0x30: {  	[sflag:s13] =	ssyncset.done $0x0  }
0x31: {  	[sflag:s13] =	ssyncadd.s32 $0xFFFFD880  }
0x32: {  	_ =	sfence.sel $0x180000  }
0x33: {  	[bflag:$0x0] =	sbarrier.arrive $0xFFFF  }
0x34: {  	p0 =	sne.s32 s0, $0x0;
	_ =	strace $0x9000004A  }
0x35: {  	s0 =	sadd.s32 @!p0 $0x100000, s1;
	[bflag:$0x2] =	sbarrier.arrive $0xFFFF  }
0x36: {  	[sflag:s0] =	ssyncadd.tile.s32 @!p0 $0x1;
	_ =	shalt  }
.Lfunc_end2:
_tile_overlayer_lowered:
.L_overlay_start_2:
0x37: {  	(tag) =	ssettag $0x2  }
0x38: {  	s0 =	rddreg [dreg:$0x0];
	s2 =	stileid.u32  }
0x39: {  	s1 =	rddreg [dreg:$0x1];
	p0 =	sne.s32 s2, $0x0  }
0x3a: {  	s3 =	rddreg [dreg:$0x2];
	[bflag:$0x3] =	sbarrier.arrive $0xFFFF;
	s2 =	simm.s32 @!p0 $0x1C02  }
0x3b: {  	[timem:s3], [sflag:s2] =	dma.local @!p0 [hbm:s0], s1  }
0x3c: {  	s0 =	simm.s32 @!p0 $0x2  }
0x3d: {  	_ =	swait.ge @!p0 [sflag:s0], s1  }
0x3e: {  	s1 =	ssub.s32 @!p0 $0x0, s1;
	[sflag:s0] =	ssyncset.done @!p0 $0x0  }
0x3f: {  	[sflag:s0] =	ssyncadd.s32 @!p0 s1  }
0x40: {  	[bflag:$0x3] =	sbarrier.arrive $0xFFFF  }
0x41: {  	_ =	shalt  }

// kernel: kernel.7.cloned.1.call-start
scs
__scs_entry_jumppad:
0x0: {  	(pc) =	sbr.rel $0x88, $3  }
0x1: {  	(tag) =	ssettag $0x0;
	lr =	simm.s32 $0x1  }
0x2: {  	[smem:$0x3F89] =	sst lr;
	_ =	strace $0xD0000000  }
0x3: {  	_ = 	snop  }
0x4: {  	_ = 	snop  }
0x5: {  	_ = 	snop  }
0x6: {  	_ = 	snop  }
0x7: {  	_ = 	snop  }
__scs_overlays_trampoline_lowered:
0x8: {  	[smem:$0x3F98] =	sst s0  }
0x9: {  	[smem:$0x3F99] =	sst s1  }
0xa: {  	[smem:$0x3F9A] =	sst s2  }
0xb: {  	[smem:$0x3F9B] =	sst s3  }
0xc: {  	[smem:$0x3F9C] =	sst s4  }
0xd: {  	[smem:$0x3F9D] =	sst s5  }
0xe: {  	[smem:$0x3F9E] =	sst s6  }
0xf: {  	[smem:$0x3F9F] =	sst s7  }
0x10: {  	[smem:$0x3FA0] =	sst s8  }
0x11: {  	[smem:$0x3FA1] =	sst s9;
	s0 =	simm.s32 @!p0 $0x0  }
0x12: {  	s1 =	sld [smem:$0x3F87];
	s0 =	simm.s32 @p0 $0x1  }
0x13: {  	[smem:$0x3FA2] =	sst s0;
	s0 =	simm.s32 @!p1 $0x0  }
0x14: {  	s2 =	sld [smem:$0x3F86];
	s0 =	simm.s32 @p1 $0x1  }
0x15: {  	[smem:$0x3FA3] =	sst s0;
	s0 =	simm.s32 @!p2 $0x0  }
0x16: {  	s3 =	sld [smem:$0x3FDB];
	s0 =	simm.s32 @p2 $0x1  }
0x17: {  	s4 =	simm.s32 $0x1BF5;
	[smem:$0x3FA5] =	sst s0  }
0x18: {  	s0 =	sld [smem:$0x3F88];
	_ =	swait.ge [sflag:s4], $0x0  }
0x19: {  	s7 =	sld [smem:$0x3F89]  }
0x1a: {  	s8 =	sadd.s32 $0xFFFFE003, lr  }
0x1b: {  	s9 =	sadd.s32 $0xFFFFFEF7, lr;
	s5 =	simm.s32 $0xFFFFFFFF;
	p2 =	slt.u32 s8, $0xFFFFF086  }
0x1c: {  	p1 =	slt.u32 s9, $0xF7A;
	s5 =	simm.s32 @!p2 $0x0  }
0x1d: {  	s5 =	simm.s32 @p1 $0x1;
	p0 =	seq.s32 s7, s2  }
0x1e: {  	s7 =	smul.u32 @!p0 $0xF7A, s2;
	p2 =	seq.s32 @!p0 s5, $0x0  }
0x1f: {  	s9 =	smul.u32 $0xF7A, s1;
	s8 =	simm.s32 @!p0 $0x1BF5;
	p2 =	por !p2, p0  }
0x20: {  	[sflag:s8] =	ssyncset.s32 @!p0 $0xFFFFF086;
	s6 =	sadd.s32 @!p0 s3, s7;
	s7 =	simm.s32 @!p0 $0x108  }
0x21: {  	s3 =	sadd.s32 s3, s9;
	s6 =	sadd.s32 @!p0 $0x88, s6;
	s7 =	simm.s32 @p2 $0x1082  }
0x22: {  	[simem:s7], [sflag:s8] =	dma.local @!p0 [hbm:s6], $0xF7A  }
0x23: {  	s9 =	sor.u32 $0xD0000000, s2;
	s6 =	simm.s32 $0x108;
	_ =	swait.ge @!p0 [sflag:s8], $0x0  }
0x24: {  	s3 =	sadd.s32 $0x88, s3;
	s6 =	simm.s32 @!p1 $0x1082;
	[sflag:s4] =	ssyncset.s32 $0xFFFFF086  }
0x25: {  	[simem:s6], [sflag:s4] =	dma.local [hbm:s3], $0xF7A  }
0x26: {  	[smem:$0x3F89] =	sst s1;
	(tag) =	ssettag s2;
	_ =	strace s9  }
0x27: {  	s1 =	sld [smem:$0x3F99]  }
0x28: {  	s2 =	sld [smem:$0x3F9A]  }
0x29: {  	s4 =	sld [smem:$0x3F9C]  }
0x2a: {  	p0 =	seq.s32 s5, $0x0;
	s5 =	sld [smem:$0x3F9D]  }
0x2b: {  	s6 =	sld [smem:$0x3F9E]  }
0x2c: {  	s7 =	sld [smem:$0x3F9F]  }
0x2d: {  	s3 =	simm.s32 $0x108;
	s8 =	sld [smem:$0x3FA0]  }
0x2e: {  	s3 =	simm.s32 @!p0 $0x1082;
	s9 =	sld [smem:$0x3FA1]  }
0x2f: {  	lr =	sadd.s32 s0, s3;
	s0 =	sld [smem:$0x3F98]  }
0x30: {  	s3 =	sld [smem:$0x3F9B]  }
0x31: {  	[smem:$0x3FA4] =	sst s10  }
0x32: {  	s10 =	sld [smem:$0x3FA2];
	_ =	sdelay $0x3  }
0x33: {  	p0 =	seq.s32 s10, $0x1;
	s10 =	sld [smem:$0x3FA4];
	_ =	sdelay $0x3  }
0x34: {  	[smem:$0x3FA4] =	sst s10  }
0x35: {  	s10 =	sld [smem:$0x3FA3];
	_ =	sdelay $0x3  }
0x36: {  	p1 =	seq.s32 s10, $0x1;
	s10 =	sld [smem:$0x3FA4];
	_ =	sdelay $0x3  }
0x37: {  	[smem:$0x3FA4] =	sst s10  }
0x38: {  	s10 =	sld [smem:$0x3FA5]  }
0x39: {  	_ = 	snop;
	(pc) =	sbr.ind lr, $3  }
0x3a: {  	_ = 	snop  }
0x3b: {  	_ = 	snop  }
0x3c: {  	p2 =	seq.s32 s10, $0x1;
	s10 =	sld [smem:$0x3FA4]  }
0x3d: {  	_ =	shalt  }
0x3e: {  	_ =	shalt  }
0x3f: {  	_ =	shalt  }
0x40: {  	_ =	shalt  }
0x41: {  	_ =	shalt  }
0x42: {  	_ =	shalt  }
0x43: {  	_ =	shalt  }
0x44: {  	_ =	shalt  }
0x45: {  	_ =	shalt  }
0x46: {  	_ =	shalt  }
0x47: {  	_ =	shalt  }
0x48: {  	_ =	shalt  }
0x49: {  	_ =	shalt  }
0x4a: {  	_ =	shalt  }
0x4b: {  	_ =	shalt  }
0x4c: {  	_ =	shalt  }
0x4d: {  	_ =	shalt  }
0x4e: {  	_ =	shalt  }
0x4f: {  	_ =	shalt  }
0x50: {  	_ =	shalt  }
0x51: {  	_ =	shalt  }
0x52: {  	_ =	shalt  }
0x53: {  	_ =	shalt  }
0x54: {  	_ =	shalt  }
0x55: {  	_ =	shalt  }
0x56: {  	_ =	shalt  }
0x57: {  	_ =	shalt  }
0x58: {  	_ =	shalt  }
0x59: {  	_ =	shalt  }
0x5a: {  	_ =	shalt  }
0x5b: {  	_ =	shalt  }
0x5c: {  	_ =	shalt  }
0x5d: {  	_ =	shalt  }
0x5e: {  	_ =	shalt  }
0x5f: {  	_ =	shalt  }
0x60: {  	_ =	shalt  }
0x61: {  	_ =	shalt  }
0x62: {  	_ =	shalt  }
0x63: {  	_ =	shalt  }
0x64: {  	_ =	shalt  }
0x65: {  	_ =	shalt  }
0x66: {  	_ =	shalt  }
0x67: {  	_ =	shalt  }
0x68: {  	_ =	shalt  }
0x69: {  	_ =	shalt  }
0x6a: {  	_ =	shalt  }
0x6b: {  	_ =	shalt  }
0x6c: {  	_ =	shalt  }
0x6d: {  	_ =	shalt  }
0x6e: {  	_ =	shalt  }
0x6f: {  	_ =	shalt  }
0x70: {  	_ =	shalt  }
0x71: {  	_ =	shalt  }
0x72: {  	_ =	shalt  }
0x73: {  	_ =	shalt  }
0x74: {  	_ =	shalt  }
0x75: {  	_ =	shalt  }
0x76: {  	_ =	shalt  }
0x77: {  	_ =	shalt  }
0x78: {  	_ =	shalt  }
0x79: {  	_ =	shalt  }
0x7a: {  	_ =	shalt  }
0x7b: {  	_ =	shalt  }
0x7c: {  	_ =	shalt  }
0x7d: {  	_ =	shalt  }
0x7e: {  	_ =	shalt  }
0x7f: {  	_ =	shalt  }
0x80: {  	_ =	shalt  }
0x81: {  	_ =	shalt  }
0x82: {  	_ =	shalt  }
0x83: {  	_ =	shalt  }
0x84: {  	_ =	shalt  }
0x85: {  	_ =	shalt  }
0x86: {  	_ =	shalt  }
0x87: {  	_ =	shalt  }
.Lfunc_end0:
.L_simem_size_0:
called_computation_lowered:
.L_overlay_start_0:
0x88: {  	s2 =	sld [smem:$0x3FD9]  }
0x89: {  	s3 =	sld [smem:$0x3FFE];
	_ =	sdelay $0x1  }
0x8a: {  	s1 =	srdreg.scid  }
0x8b: {  	s0 =	sand.u32 $0x1, s1  }
0x8c: {  	s16 =	sshll.u32 s0, $0xA;
	s2 =	sadd.s32 s3, s2  }
0x8d: {  	s2 =	sadd.s32 s2, s16  }
0x8e: {  	[smem:$0x3FB0] =	sst s2  }
0x8f: {  	_ = 	snop  }
0x90: {  	(tm) =	ssettm $0x1  }
0x91: {  	s17 =	sld [smem:$0x3FFB];
	_ =	sdelay $0x3  }
0x92: {  	_ =	strace s17  }
0x93: {  	s2 =	sld [smem:$0x3FFC];
	_ =	sdelay $0x3  }
0x94: {  	_ =	strace s2  }
0x95: {  	s2 =	sld [smem:$0x3FFD];
	_ =	sdelay $0x3  }
0x96: {  	_ =	strace s2  }
0x97: {  	_ =	strace $0x8FFFFFFF  }
0x98: {  	s18 =	sld [smem:$0x3FDB];
	_ =	sdelay $0x1  }
0x99: {  	s19 =	simm.s32 $_scs_section_size  }
0x9a: {  	s4 =	simm.s32 $_size__tile_overlayer_lowered;
	s5 =	simm.s32 $_tile_overlayer_lowered  }
0x9b: {  	s22 =	simm.s32 $0x1BFF;
	s21 =	sshll.u32 s5, $0x1;
	s2 =	sadd.s32 s19, s18  }
0x9c: {  	s6 =	simm.s32 $0x0;
	s20 =	sshll.u32 s4, $0x1;
	s4 =	sadd.s32 s21, s2  }
0x9d: {  	[timem:s6], [sflag:s22] =	dma.local [hbm:s4], s20  }
0x9e: {  	_ =	swait.ge [sflag:s22], s20  }
0x9f: {  	s3 =	ssub.s32 $0x0, s20;
	[sflag:s22] =	ssyncset.done $0x0  }
0xa0: {  	[sflag:s22] =	ssyncadd.s32 s3;
	_ =	sdelay $0x1  }
0xa1: {  	s23 =	simm.s32 $0x1B8B  }
0xa2: {  	_ =	swait.ge [sflag:s23], $0x1  }
0xa3: {  	[sflag:s23] =	ssyncset.done $0x0  }
0xa4: {  	s25 =	simm.s32 $0x1B8E;
	s24 =	sld [smem:$0x3FFE];
	[sflag:s23] =	ssyncadd.s32 $0xFFFFFFFF  }
0xa5: {  	s26 =	simm.s32 $execute0_lowered;
	[smem:$0x3FD2] =	sst s25  }
0xa6: {  	s4 =	sshll.u32 s26, $0x1;
	_ =	strace $0x80000046;
	[dreg:$0x1] =	wrdreg $0xFFFFFFFF  }
0xa7: {  	s28 =	simm.s32 $_size_execute0_lowered;
	s2 =	sadd.s32 s2, s4;
	[dreg:$0x0] =	wrdreg $0x0  }
0xa8: {  	s4 =	sshll.u32 s28, $0x1;
	[dreg:$0x2] =	wrdreg s2  }
0xa9: {  	[dreg:$0x3] =	wrdreg s4  }
0xaa: {  	[dreg:$0x4] =	wrdreg $0xC0  }
0xab: {  	_ =	task [dreg:s6], $0x5FFFF  }
0xac: {  	[dreg:$0x1] =	wrdreg $0xFFFFFFFF  }
0xad: {  	[dreg:$0x0] =	wrdreg $0x60  }
0xae: {  	[dreg:$0x2] =	wrdreg s24  }
0xaf: {  	[dreg:$0x3] =	wrdreg $0xA8000  }
0xb0: {  	[dreg:$0x4] =	wrdreg $0x9  }
0xb1: {  	_ =	task.clear_ibuf [dreg:s6], $0x5FFFF;
	_ =	strace $0x90000046  }
0xb2: {  	s29 =	simm.s32 $0x9;
	_ =	strace $0x80000048  }
0xb3: {  	_ =	swait.ge [sflag:s29], $0x1  }
0xb4: {  	[sflag:s29] =	ssyncadd.s32 $0xFFFFFFFF  }
0xb5: {  	_ =	strace $0x90000048  }
0xb6: {  	_ =	sfence  }
0xb7: {  	s30 =	sld [smem:$0x0];
	_ =	sdelay $0x2  }
0xb8: {  	s31 =	sshll.u32 s1, $0xD;
	s1 =	sshrl.u32 s1, $0x2  }
0xb9: {  	s3 =	sand.u32 $0x4000, s31;
	s1 =	sadd.s32 s1, s30  }
0xba: {  	s0 =	sor.u32 s3, s0;
	s1 =	sshll.u32 s1, $0x11  }
0xbb: {  	s0 =	sor.u32 s1, s0  }
0xbc: {  	s0 =	sadd.s32 $0x8F2B, s0  }
0xbd: {  	[sflag:s0] =	ssyncadd.remote.s32 $0x1  }
0xbe: {  	_ =	sfence.sel $0xFFFF  }
0xbf: {  	[dreg:$0x0] =	wrdreg $0xFFFFFFFF;
	(pc) =	sbr.abs _section_cstart, $3  }
0xc0: {  	[dreg:$0x1] =	wrdreg $0xFFFFFFFF  }
0xc1: {  	_ =	task.clear_ibuf [dreg:s6], $0x2FFFF;
	_ =	strace $0x9FFFFFFF  }
0xc2: {  	(tm) =	ssettm $0x7FFFFFFF  }
0xc3: {  	_ =	shalt  }
tec
execute0_lowered:
.L_overlay_start_1:
0x0: {  	(tag) =	ssettag $0x1  }
0x1: {  	s0 =	srdreg.scid;
	s6 =	rddreg [dreg:$0x0]  }
0x2: {  	s2 =	rddreg [dreg:$0x1];
	s3 =	simm.s32 $0x0;
	s15 =	simm.s32 $0x6800  }
0x3: {  	s16 =	simm.s32 $0x1;
	s9 =	sand.u32 $0x1, s0;
	s0 =	stileid.u32  }
0x4: {  	s17 =	simm.s32 $0x0;
	[smem:$0x7FF] =	sst s3;
	s7 =	smul.u32 $0x13C000, s9  }
0x5: {  	s4 =	sadd.s32 $0x2C00, s6;
	s1 =	sshll.u32 s9, $0x4;
	s8 =	smul.u32 $0x13C00, s0  }
0x6: {  	s28 =	ssub.s32 $0x2, s9;
	s11 =	smul.u32 $0x4F000, s0;
	s31 =	sshll.u32 s0, $0x6  }
0x7: {  	p0 =	seq.s32 s9, $0x0;
	s9 =	simm.s32 $0x67;
	s1 =	sor.u32 s0, s1  }
0x8: {  	s29 =	sshrl.u32 s28, $0x1;
	s9 =	simm.s32 @!p0 $0x37;
	s5 =	smul.u32 $0x680, s1  }
0x9: {  	s1 =	rddreg [dreg:$0x2];
	_ =	strace $0x80000047;
	s26 =	sadd.s32 s8, s7  }
0xa: {  	s13 =	ssub.s32 s28, s29;
	s30 =	sshrl.u32 s11, $0x2;
	s7 =	sshrl.u32 s26, $0x3  }
0xb: {  	s14 =	sadd.s32 s30, s2;
	s11 =	smax.u32 s13, $0x1;
	s13 =	simm.s32 $0x2  }
0xc: {  	s10 =	sadd.s32 s5, s6;
	s5 =	sadd.s32 $0x43E00, s6;
	s12 =	sadd.s32 s7, s6  }
0xd: {  	s6 =	sor.u32 $0x1C02, s31;
	s7 =	sadd.s32 $0x36E00, s10;
	s8 =	sadd.s32 $0x29E00, s10  }
0xe: {  	s10 =	sadd.s32 $0x46600, s12;
	s12 =	sshrl.u32 s14, $0x3;
	s14 =	simm.s32 $0x80  }
.LBB2_1:
0xf: {  	[spmem:s12], [sflag:s6] =	dma.local [hbm:s5], $0x2780  }
0x10: {  	_ =	swait.ge [sflag:s13], $0x2780  }
0x11: {  	[sflag:s13] =	ssyncset.done $0x0  }
0x12: {  	[sflag:s13] =	ssyncadd.s32 $0xFFFFD880  }
0x13: {  	[tilespmem:s3], [sflag:$0x2] =	stream.linear.gather [hbm4b:s7+s3], $0x3380, $0x38;
	[tilespmem:$0x1E400] =	vst v63  }
0x14: {  	_ =	swait.ge [sflag:s13], $0x3380  }
0x15: {  	[sflag:s13] =	ssyncset.done $0x0  }
0x16: {  	s18 =	simm.s32 $0x3400;
	[sflag:s13] =	ssyncadd.s32 $0xFFFFCC80  }
0x17: {  	[tilespmem:s18], [sflag:$0x2] =	stream.linear.gather [hbm4b:s8+s3], $0x3380, $0x38;
	[tilespmem:$0x1E400] =	vst v63  }
0x18: {  	_ =	swait.ge [sflag:s13], $0x3380  }
0x19: {  	[sflag:s13] =	ssyncset.done $0x0  }
0x1a: {  	[sflag:s13] =	ssyncadd.s32 $0xFFFFCC80  }
0x1b: {  	[bflag:$0x0] =	sbarrier.arrive $0xFFFF  }
0x1c: {  	[tilespmem:s15], [sflag:$0x1] =	stream.indirect.gather [hbm4b:s4+s14], $0x80, s3, s14, $0xb8;
	[tilespmem:$0x1E400] =	vst v63  }
0x1d: {  	p0 =	sne.s32 s9, $0x1;
	_ =	swait.ge [sflag:s16], $0x4000  }
.Ltmp0:
0x1e: {  	[sflag:s16] =	ssyncset.done $0x0;
	(pc) =	sbr.rel @!p0 .LBB2_3-.Ltmp0, $4  }
0x1f: {  	[sflag:s16] =	ssyncadd.s32 $0xFFFFC000  }
0x20: {  	[spmem:s2] =	stream.indirect.scatter.add.f32 [tilespmem:s15], [sflag:$0x2], $0x80, s18, s14, $0xb8;
	[tilespmem:$0x1E400] =	vst v63  }
0x21: {  	_ =	swait.ge [sflag:s13], $0x4000  }
0x22: {  	s19 =	sadd.s32 $0xFFFFFFFF, s9;
	s20 =	simm.s32 $0x0;
	[sflag:s13] =	ssyncset.done $0x0  }
.LBB2_2:
0x23: {  	[sflag:s13] =	ssyncadd.s32 $0xFFFFC000;
	s20 =	sadd.s32 $0x80, s20;
	s18 =	sadd.s32 $0x80, s18  }
0x24: {  	[tilespmem:s15], [sflag:$0x1] =	stream.indirect.gather [hbm4b:s4+s14], $0x80, s20, s14, $0xb8;
	[tilespmem:$0x1E400] =	vst v63  }
0x25: {  	p0 =	sne.s32 s19, $0x1;
	s19 =	sadd.s32 $0xFFFFFFFF, s19;
	_ =	swait.ge [sflag:s16], $0x4000  }
.Ltmp1:
0x26: {  	[sflag:s16] =	ssyncset.done $0x0;
	(pc) =	sbr.rel @p0 .LBB2_2-.Ltmp1, $4  }
0x27: {  	[sflag:s16] =	ssyncadd.s32 $0xFFFFC000  }
0x28: {  	[spmem:s2] =	stream.indirect.scatter.add.f32 [tilespmem:s15], [sflag:$0x2], $0x80, s18, s14, $0xb8;
	[tilespmem:$0x1E400] =	vst v63  }
0x29: {  	_ =	swait.ge [sflag:s13], $0x4000  }
0x2a: {  	[sflag:s13] =	ssyncset.done $0x0  }
.LBB2_3:
0x2b: {  	s17 =	sadd.s32 $0x1, s17  }
0x2c: {  	[sflag:s13] =	ssyncadd.s32 $0xFFFFC000;
	p0 =	sne.s32 s17, s11  }
.Ltmp2:
0x2d: {  	[bflag:$0x0] =	sbarrier.arrive $0xFFFF;
	(pc) =	sbr.rel @p0 .LBB2_1-.Ltmp2, $4  }
0x2e: {  	[hbm:s10], [sflag:s6] =	dma.local [spmem:s12], $0x2780  }
0x2f: {  	_ =	swait.ge [sflag:s13], $0x2780  }
0x30: {  	[sflag:s13] =	ssyncset.done $0x0  }
0x31: {  	[sflag:s13] =	ssyncadd.s32 $0xFFFFD880  }
0x32: {  	_ =	sfence.sel $0x180000  }
0x33: {  	[bflag:$0x0] =	sbarrier.arrive $0xFFFF  }
0x34: {  	p0 =	sne.s32 s0, $0x0;
	_ =	strace $0x90000047  }
0x35: {  	s0 =	sadd.s32 @!p0 $0x100000, s1;
	[bflag:$0x2] =	sbarrier.arrive $0xFFFF  }
0x36: {  	[sflag:s0] =	ssyncadd.tile.s32 @!p0 $0x1;
	_ =	shalt  }
.Lfunc_end2:
_tile_overlayer_lowered:
.L_overlay_start_2:
0x37: {  	(tag) =	ssettag $0x2  }
0x38: {  	s0 =	rddreg [dreg:$0x0];
	s2 =	stileid.u32  }
0x39: {  	s1 =	rddreg [dreg:$0x1];
	p0 =	sne.s32 s2, $0x0  }
0x3a: {  	s3 =	rddreg [dreg:$0x2];
	[bflag:$0x3] =	sbarrier.arrive $0xFFFF;
	s2 =	simm.s32 @!p0 $0x1C02  }
0x3b: {  	[timem:s3], [sflag:s2] =	dma.local @!p0 [hbm:s0], s1  }
0x3c: {  	s0 =	simm.s32 @!p0 $0x2  }
0x3d: {  	_ =	swait.ge @!p0 [sflag:s0], s1  }
0x3e: {  	s1 =	ssub.s32 @!p0 $0x0, s1;
	[sflag:s0] =	ssyncset.done @!p0 $0x0  }
0x3f: {  	[sflag:s0] =	ssyncadd.s32 @!p0 s1  }
0x40: {  	[bflag:$0x3] =	sbarrier.arrive $0xFFFF  }
0x41: {  	_ =	shalt  }

</sc_bundles>
